<compile_context>
chip_gen: v7x
topology: tpu7x:2x2x1
jax: 0.10.2.dev20260603
libtpu: 0.0.44.dev20260713+nightly
codegen_flags: <defaults>
</compile_context>

<pallas_src>
import functools
import jax
import jax.numpy as jnp
from jax import lax
from jax.experimental import pallas as pl
from jax.experimental.pallas import tpu as pltpu
from jax.experimental.pallas import tpu_sc as plsc

N = 6_400_000
NB = 8760
NBPAD = 8848
DUMP = 8832
NTILES = 16
TILE = N // NTILES
W = 8000
NWIN = TILE // W
BPW = W // 16
NW = 32


def _sc_segsum(ts_hbm, pr_hbm, vo_hbm, out_hbm,
               tsw, aw, bw, xw, ksbuf, segbuf, sibuf, outb, dsem):
    wid = lax.axis_index("s") * 2 + lax.axis_index("c")
    tile = wid & (NTILES - 1)
    is_pv = wid < NTILES
    it = lax.iota(jnp.int32, 16)
    lane0 = it == 0

    ksbuf[pl.ds(0, 16)] = jnp.zeros((16,), jnp.float32)
    sibuf[pl.ds(0, 16)] = jnp.zeros((16,), jnp.int32)

    def _zero(i, _):
        outb[pl.ds(i * 16, 16)] = jnp.zeros((16,), jnp.float32)
        return 0
    lax.fori_loop(0, NBPAD // 16, _zero, 0)

    def ks16(v):
        for s in (1, 2, 4, 8):
            ksbuf[pl.ds(16, 16)] = v
            v = v + ksbuf[pl.ds(16 - s, 16)]
        return v

    def seg_of(tsv):
        t2 = lax.shift_right_logical(tsv, 1)
        tf = t2.astype(jnp.float32)
        q = (tf * (1.0 / 1800.0)).astype(jnp.int32)
        r = t2 - q * 1800
        q = jnp.where(r < 0, q - 1, q)
        r = t2 - q * 1800
        return jnp.where(r >= 1800, q + 1, q)

    def bucket_write(bid, val):
        bid = jnp.where(bid < 0, DUMP, bid)
        basei = bid & ~jnp.int32(15)
        lpos = bid & 15
        cur = outb[pl.ds(basei, 16)]
        outb[pl.ds(basei, 16)] = jnp.where(it == lpos, jnp.full((16,), val), cur)

    def block_body(blk, carry):
        prev_seg, prev_r = carry
        base = blk * 16
        tsv = tsw[pl.ds(base, 16)]
        seg = seg_of(tsv)
        segbuf[pl.ds(1, 16)] = seg
        sh = segbuf[pl.ds(0, 16)]
        sh = jnp.where(lane0, jnp.full((16,), prev_seg), sh)
        head = seg != sh
        x = xw[pl.ds(base, 16)]
        x = x + jnp.where(lane0 & (seg == sh), jnp.full((16,), prev_r), 0.0)
        r = ks16(x)
        ksbuf[pl.ds(16, 16)] = r
        hi = jnp.where(head, jnp.int32(1), jnp.int32(0))
        for s in (1, 2, 4, 8):
            sibuf[pl.ds(16, 16)] = hi
            hi = hi + sibuf[pl.ds(16 - s, 16)]
        sibuf[pl.ds(16, 16)] = hi
        nh_s = sibuf[pl.ds(31, 16)][0]
        sibuf[pl.ds(16, 16)] = jnp.where(head, jnp.int32(1), jnp.int32(0))

        def lane_body(k, _):
            hk = sibuf[pl.ds(16 + k, 16)][0]

            def do():
                val = jnp.where(k == 0, prev_r, ksbuf[pl.ds(15 + k, 16)][0])
                bid = jnp.where(k == 0, prev_seg, segbuf[pl.ds(k, 16)][0])
                bucket_write(bid, val)
                rr = ks16(jnp.where(it >= k, xw[pl.ds(base, 16)], 0.0))
                ksbuf[pl.ds(16, 16)] = rr
                return jnp.int32(0)

            return lax.cond(hk == 1, do, lambda: jnp.int32(0))

        _ = lax.cond(nh_s > 0,
                     lambda: lax.fori_loop(0, 16, lane_body, jnp.int32(0)),
                     lambda: jnp.int32(0))

        new_seg = segbuf[pl.ds(16, 16)][0]
        new_r = ksbuf[pl.ds(31, 16)][0]
        return new_seg, new_r

    def window_body(w, carry):
        woff = tile * TILE + w * W
        pltpu.sync_copy(ts_hbm.at[pl.ds(woff, W)], tsw)

        @pl.when(is_pv)
        def _():
            pltpu.sync_copy(pr_hbm.at[pl.ds(woff, W)], aw)
            pltpu.sync_copy(vo_hbm.at[pl.ds(woff, W)], bw)

            def mulb(i, _):
                xw[pl.ds(i * 16, 16)] = aw[pl.ds(i * 16, 16)] * bw[pl.ds(i * 16, 16)]
                return 0
            lax.fori_loop(0, BPW, mulb, 0)

        @pl.when(jnp.logical_not(is_pv))
        def _():
            pltpu.sync_copy(vo_hbm.at[pl.ds(woff, W)], xw)

        return lax.fori_loop(0, BPW, block_body, carry)

    fs, fr = lax.fori_loop(0, NWIN, window_body,
                           (jnp.int32(-1), jnp.float32(0.0)))
    bucket_write(fs, fr)
    pltpu.sync_copy(outb, out_hbm.at[wid])


def _tc_epilogue(part_ref, cur_ref, out_ref):
    acc_p = part_ref[0]
    acc_v = part_ref[16]
    for t in range(1, NTILES):
        acc_p = acc_p + part_ref[t]
        acc_v = acc_v + part_ref[16 + t]
    vwap = acc_p / (acc_v + 1e-12)
    c = vwap[:, 0:1]
    c52 = c
    c55 = c
    for k in range(1, 128):
        c = c + vwap[:, k:k + 1]
        if k == 52:
            c52 = c
        if k == 55:
            c55 = c
    rowsum = c
    b = rowsum[0:1, 0:1]
    for rr in range(1, 68):
        b = b + rowsum[rr:rr + 1, 0:1]
    cs8756 = c52[68:69, 0:1] + b
    cs8759 = c55[68:69, 0:1] + b
    rv = (cs8759 - cs8756) / 3.0
    cur = cur_ref[...]
    out_ref[...] = jnp.where(cur < rv, 1.0, 0.0) - jnp.where(cur > rv, 1.0, 0.0)


def kernel(timestamp, tick_timestamp, tick_price, tick_volume, cur_price):
    mesh = plsc.VectorSubcoreMesh(core_axis_name="c", subcore_axis_name="s")
    sc = functools.partial(
        pl.kernel, mesh=mesh,
        out_type=jax.ShapeDtypeStruct((NW, NBPAD), jnp.float32),
        scratch_types=[
            pltpu.VMEM((W,), jnp.int32),
            pltpu.VMEM((W,), jnp.float32),
            pltpu.VMEM((W,), jnp.float32),
            pltpu.VMEM((W,), jnp.float32),
            pltpu.VMEM((48,), jnp.float32),
            pltpu.VMEM((32,), jnp.int32),
            pltpu.VMEM((48,), jnp.int32),
            pltpu.VMEM((NBPAD,), jnp.float32),
            pltpu.SemaphoreType.DMA,
        ],
    )(_sc_segsum)
    partials = sc(tick_timestamp, tick_price, tick_volume)
    part3d = partials[:, :8832].reshape(NW, 69, 128)
    out = pl.pallas_call(
        _tc_epilogue,
        out_shape=jax.ShapeDtypeStruct((128, 128), jnp.float32),
    )(part3d, cur_price.reshape(128, 128))
    return out.reshape(-1)

# --- scband reference (transcript-rebuilt; emitter-appended) ---
"""Pipeline reference for scband-alpha-vwap-70471823393353 (READ-ONLY COPY).

The authoritative reference and input builder live on the scoring server;
editing this copy changes nothing except your own understanding.
"""

import jax, jax.numpy as jnp
import numpy as np

N_TICKS = 6_400_000
SECONDS = 31_536_000
BUCKET_SEC = 3600
NUM_BUCKETS = SECONDS // BUCKET_SEC  # 8760 hourly buckets
WINDOW = 3
P = 16384


def setup_inputs(seed: int = 0) -> dict:
    key = jax.random.key(seed)
    k1, k2, k3, k4 = jax.random.split(key, 4)
    tick_timestamp = jnp.sort(jax.random.randint(k1, (N_TICKS,), 0, SECONDS, dtype=jnp.int32))
    tick_price = jax.random.uniform(k2, (N_TICKS,), dtype=jnp.float32) * 100.0 + 1.0
    tick_volume = jax.random.uniform(k3, (N_TICKS,), dtype=jnp.float32) * 1000.0
    cur_price = jax.random.uniform(k4, (P,), dtype=jnp.float32) * 100.0 + 1.0
    return {
        "timestamp": 1700000000,
        "tick_timestamp": tick_timestamp,
        "tick_price": tick_price,
        "tick_volume": tick_volume,
        "cur_price": cur_price,
    }


def reference(timestamp, tick_timestamp, tick_price, tick_volume, cur_price):
    # --- on_bod: bucket ticks by hour, groupby_sum -> VWAP per bucket ---
    seg = (tick_timestamp // BUCKET_SEC).astype(jnp.int32)  # dt_floor to hour == segment id
    pv = tick_price * tick_volume
    sum_pv = jax.ops.segment_sum(pv, seg, num_segments=NUM_BUCKETS)
    sum_v = jax.ops.segment_sum(tick_volume, seg, num_segments=NUM_BUCKETS)
    vwap = sum_pv / (sum_v + 1e-12)
    # rolling mean over trailing WINDOW buckets (partial sums /WINDOW for the first
    # WINDOW-1 entries; only the last entry is consumed downstream)
    cs = jnp.cumsum(vwap)
    shifted = jnp.concatenate([jnp.zeros((WINDOW,), dtype=vwap.dtype), cs[:-WINDOW]])
    rolling_avg = (cs - shifted) / float(WINDOW)
    # --- forward: compare current prices to latest rolling VWAP ---
    ref_vwap = rolling_avg[NUM_BUCKETS - 1]
    long_f = jnp.where(cur_price < ref_vwap, 1.0, 0.0)
    short_f = jnp.where(cur_price > ref_vwap, 1.0, 0.0)
    return (long_f - short_f).astype(jnp.float32)

if __name__ == "__main__":
    import jax
    _d = setup_inputs()
    print(jax.jit(kernel)(*tuple(_d.values())))

</pallas_src>

<mosaic_0001>
#map = affine_map<(d0, d1) -> (0)>
#map1 = affine_map<(d0, d1) -> (0, 0)>
module attributes {stable_mosaic.version = 14 : i64} {
  func.func @_sc_segsum(%arg0: i32, %arg1: i32, %arg2: memref<6400000xi32, #tpu.memory_space<hbm>>, %arg3: memref<6400000xf32, #tpu.memory_space<hbm>>, %arg4: memref<6400000xf32, #tpu.memory_space<hbm>>, %arg5: memref<32x8848xf32, #tpu.memory_space<hbm>>, %arg6: memref<8000xi32, #tpu.memory_space<vmem>>, %arg7: memref<8000xf32, #tpu.memory_space<vmem>>, %arg8: memref<8000xf32, #tpu.memory_space<vmem>>, %arg9: memref<8000xf32, #tpu.memory_space<vmem>>, %arg10: memref<48xf32, #tpu.memory_space<vmem>>, %arg11: memref<32xi32, #tpu.memory_space<vmem>>, %arg12: memref<48xi32, #tpu.memory_space<vmem>>, %arg13: memref<8848xf32, #tpu.memory_space<vmem>>, %arg14: memref<!tpu.dma_semaphore, #tpu.memory_space<semaphore_mem>>) attributes {dimension_semantics = [#tpu.dimension_semantics<core_parallel>, #tpu.dimension_semantics<subcore_parallel>], iteration_bounds = array<i64: 2, 16>, scalar_prefetch = 0 : i64, scratch_operands = 9 : i64, tpu.core_type = #tpu.core_type<sc_vector_subcore>, window_params = [{transform_indices = #map}, {transform_indices = #map}, {transform_indices = #map}, {transform_indices = #map1}]} {
    %mul3A = arith.constant 2 : i32
    %mul3A_0 = arith.muli %arg1, %mul3A : i32
    %add3A = arith.addi %mul3A_0, %arg0 : i32
    %and3A = arith.constant 15 : i32
    %and3A_1 = arith.andi %add3A, %and3A : i32
    %lt3A = arith.constant 16 : i32
    %lt3A_2 = arith.cmpi slt, %add3A, %lt3A : i32
    %iota3A = tpu.iota {dimensions = array<i32: 0>} : vector<16xi32>
    %eq3A = arith.constant 0 : i32
    %eq3A_3 = vector.broadcast %eq3A : i32 to vector<16xi32>
    %eq3A_4 = arith.cmpi eq, %iota3A, %eq3A_3 : vector<16xi32>
    %broadcast_in_dim3A = arith.constant 0.000000e+00 : f32
    %broadcast_in_dim3A_5 = vector.broadcast %broadcast_in_dim3A : f32 to vector<16xf32>
    %swap3A = arith.constant 0 : index
    %swap3A_6 = tpu.vector_load %arg10[%swap3A] {strides = array<i32>} : memref<48xf32, #tpu.memory_space<vmem>>, vector<16xf32>,
    %swap3A_7 = vector.shape_cast %swap3A_6 : vector<16xf32> to vector<16xf32>
    %swap3A_8 = vector.shape_cast %broadcast_in_dim3A_5 : vector<16xf32> to vector<16xf32>
    tpu.vector_store %arg10[%swap3A], %swap3A_8 {strides = array<i32>} : memref<48xf32, #tpu.memory_space<vmem>>, vector<16xf32>,
    %broadcast_in_dim3A_9 = arith.constant 0 : i32
    %broadcast_in_dim3A_10 = vector.broadcast %broadcast_in_dim3A_9 : i32 to vector<16xi32>
    %swap3A_11 = arith.constant 0 : index
    %swap3A_12 = tpu.vector_load %arg12[%swap3A_11] {strides = array<i32>} : memref<48xi32, #tpu.memory_space<vmem>>, vector<16xi32>,
    %swap3A_13 = vector.shape_cast %swap3A_12 : vector<16xi32> to vector<16xi32>
    %swap3A_14 = vector.shape_cast %broadcast_in_dim3A_10 : vector<16xi32> to vector<16xi32>
    tpu.vector_store %arg12[%swap3A_11], %swap3A_14 {strides = array<i32>} : memref<48xi32, #tpu.memory_space<vmem>>, vector<16xi32>,
    %scan3A = arith.constant 0 : i32
    %scan3A_15 = arith.constant 0 : i32
    %scan3A_16 = arith.constant 553 : i32
    %scan3A_17 = arith.addi %scan3A_15, %scan3A_16 : i32
    %scan3A_18 = arith.constant 1 : i32
    %scan3A_19 = scf.for %scan3A_46 = %scan3A_15 to %scan3A_17 step %scan3A_18 iter_args(%scan3A_47 = %scan3A) -> (i32)  : i32 {
      %broadcast_in_dim3A_48 = arith.constant 0.000000e+00 : f32
      %broadcast_in_dim3A_49 = vector.broadcast %broadcast_in_dim3A_48 : f32 to vector<16xf32>
      %mul3A_50 = arith.constant 16 : i32
      %mul3A_51 = arith.muli %scan3A_46, %mul3A_50 : i32
      %swap3A_52 = arith.index_cast %mul3A_51 : i32 to index
      %swap3A_53 = tpu.vector_load %arg13[%swap3A_52] {strides = array<i32>} : memref<8848xf32, #tpu.memory_space<vmem>>, vector<16xf32>,
      %swap3A_54 = vector.shape_cast %swap3A_53 : vector<16xf32> to vector<16xf32>
      %swap3A_55 = vector.shape_cast %broadcast_in_dim3A_49 : vector<16xf32> to vector<16xf32>
      tpu.vector_store %arg13[%swap3A_52], %swap3A_55 {strides = array<i32>} : memref<8848xf32, #tpu.memory_space<vmem>>, vector<16xf32>,
      %scan3A_56 = arith.constant 0 : i32
      scf.yield %scan3A_56 : i32
    }
    %scan3A_20 = arith.constant 553 : i32
    %scan3A_21 = arith.constant -1 : i32
    %scan3A_22 = arith.constant 0.000000e+00 : f32
    %scan3A_23 = arith.constant 0 : i32
    %scan3A_24 = arith.constant 50 : i32
    %scan3A_25 = arith.addi %scan3A_23, %scan3A_24 : i32
    %scan3A_26 = arith.constant 1 : i32
    %scan3A_27:2 = scf.for %scan3A_46 = %scan3A_23 to %scan3A_25 step %scan3A_26 iter_args(%scan3A_47 = %scan3A_21, %scan3A_48 = %scan3A_22) -> (i32, f32)  : i32 {
      %mul3A_49 = arith.constant 400000 : i32
      %mul3A_50 = arith.muli %and3A_1, %mul3A_49 : i32
      %mul3A_51 = arith.constant 8000 : i32
      %mul3A_52 = arith.muli %scan3A_46, %mul3A_51 : i32
      %add3A_53 = arith.addi %mul3A_50, %mul3A_52 : i32
      "tpu.region"() ({
        %run_scoped3A = tpu.sem_alloc : memref<!tpu.dma_semaphore, #tpu.memory_space<semaphore_mem>>
        %dma_start3A = tpu.memref_slice %arg2[%add3A_53] : memref<6400000xi32, #tpu.memory_space<hbm>> -> memref<8000xi32, #tpu.memory_space<hbm>>
        %dma_start3A_66 = tpu.memref_slice %arg2[%add3A_53] : memref<6400000xi32, #tpu.memory_space<hbm>> -> memref<8000xi32, #tpu.memory_space<hbm>>
        tpu.enqueue_dma source(%dma_start3A_66 : memref<8000xi32, #tpu.memory_space<hbm>>) target(%arg6 : memref<8000xi32, #tpu.memory_space<vmem>>) target_semaphore(%run_scoped3A : memref<!tpu.dma_semaphore, #tpu.memory_space<semaphore_mem>>)
        %dma_wait3A = tpu.memref_slice %arg2[%add3A_53] : memref<6400000xi32, #tpu.memory_space<hbm>> -> memref<8000xi32, #tpu.memory_space<hbm>>
        %dma_wait3A_67 = tpu.memref_slice %arg2[%add3A_53] : memref<6400000xi32, #tpu.memory_space<hbm>> -> memref<8000xi32, #tpu.memory_space<hbm>>
        tpu.wait_dma2 semaphore(%run_scoped3A : memref<!tpu.dma_semaphore, #tpu.memory_space<semaphore_mem>>) src(%dma_wait3A_67 : memref<8000xi32, #tpu.memory_space<hbm>>) dst(%arg6 : memref<8000xi32, #tpu.memory_space<vmem>>)
        tpu.yield
      }) : () -> ()
      %convert_element_type3A = arith.extui %lt3A_2 : i1 to i32
      %cond3A = arith.constant 0 : i32
      %cond3A_54 = arith.cmpi ne, %convert_element_type3A, %cond3A : i32
      scf.if %cond3A_54 {
        "tpu.region"() ({
          %run_scoped3A = tpu.sem_alloc : memref<!tpu.dma_semaphore, #tpu.memory_space<semaphore_mem>>
          %dma_start3A = tpu.memref_slice %arg3[%add3A_53] : memref<6400000xf32, #tpu.memory_space<hbm>> -> memref<8000xf32, #tpu.memory_space<hbm>>
          %dma_start3A_73 = tpu.memref_slice %arg3[%add3A_53] : memref<6400000xf32, #tpu.memory_space<hbm>> -> memref<8000xf32, #tpu.memory_space<hbm>>
          tpu.enqueue_dma source(%dma_start3A_73 : memref<8000xf32, #tpu.memory_space<hbm>>) target(%arg7 : memref<8000xf32, #tpu.memory_space<vmem>>) target_semaphore(%run_scoped3A : memref<!tpu.dma_semaphore, #tpu.memory_space<semaphore_mem>>)
          %dma_wait3A = tpu.memref_slice %arg3[%add3A_53] : memref<6400000xf32, #tpu.memory_space<hbm>> -> memref<8000xf32, #tpu.memory_space<hbm>>
          %dma_wait3A_74 = tpu.memref_slice %arg3[%add3A_53] : memref<6400000xf32, #tpu.memory_space<hbm>> -> memref<8000xf32, #tpu.memory_space<hbm>>
          tpu.wait_dma2 semaphore(%run_scoped3A : memref<!tpu.dma_semaphore, #tpu.memory_space<semaphore_mem>>) src(%dma_wait3A_74 : memref<8000xf32, #tpu.memory_space<hbm>>) dst(%arg7 : memref<8000xf32, #tpu.memory_space<vmem>>)
          tpu.yield
        }) : () -> ()
        "tpu.region"() ({
          %run_scoped3A = tpu.sem_alloc : memref<!tpu.dma_semaphore, #tpu.memory_space<semaphore_mem>>
          %dma_start3A = tpu.memref_slice %arg4[%add3A_53] : memref<6400000xf32, #tpu.memory_space<hbm>> -> memref<8000xf32, #tpu.memory_space<hbm>>
          %dma_start3A_73 = tpu.memref_slice %arg4[%add3A_53] : memref<6400000xf32, #tpu.memory_space<hbm>> -> memref<8000xf32, #tpu.memory_space<hbm>>
          tpu.enqueue_dma source(%dma_start3A_73 : memref<8000xf32, #tpu.memory_space<hbm>>) target(%arg8 : memref<8000xf32, #tpu.memory_space<vmem>>) target_semaphore(%run_scoped3A : memref<!tpu.dma_semaphore, #tpu.memory_space<semaphore_mem>>)
          %dma_wait3A = tpu.memref_slice %arg4[%add3A_53] : memref<6400000xf32, #tpu.memory_space<hbm>> -> memref<8000xf32, #tpu.memory_space<hbm>>
          %dma_wait3A_74 = tpu.memref_slice %arg4[%add3A_53] : memref<6400000xf32, #tpu.memory_space<hbm>> -> memref<8000xf32, #tpu.memory_space<hbm>>
          tpu.wait_dma2 semaphore(%run_scoped3A : memref<!tpu.dma_semaphore, #tpu.memory_space<semaphore_mem>>) src(%dma_wait3A_74 : memref<8000xf32, #tpu.memory_space<hbm>>) dst(%arg8 : memref<8000xf32, #tpu.memory_space<vmem>>)
          tpu.yield
        }) : () -> ()
        %scan3A_66 = arith.constant 0 : i32
        %scan3A_67 = arith.constant 0 : i32
        %scan3A_68 = arith.constant 500 : i32
        %scan3A_69 = arith.addi %scan3A_67, %scan3A_68 : i32
        %scan3A_70 = arith.constant 1 : i32
        %scan3A_71 = scf.for %scan3A_73 = %scan3A_67 to %scan3A_69 step %scan3A_70 iter_args(%scan3A_74 = %scan3A_66) -> (i32)  : i32 {
          %mul3A_75 = arith.constant 16 : i32
          %mul3A_76 = arith.muli %scan3A_73, %mul3A_75 : i32
          %get3A_77 = arith.index_cast %mul3A_76 : i32 to index
          %get3A_78 = tpu.vector_load %arg7[%get3A_77] {strides = array<i32>} : memref<8000xf32, #tpu.memory_space<vmem>>, vector<16xf32>,
          %get3A_79 = vector.shape_cast %get3A_78 : vector<16xf32> to vector<16xf32>
          %mul3A_80 = arith.constant 16 : i32
          %mul3A_81 = arith.muli %scan3A_73, %mul3A_80 : i32
          %get3A_82 = arith.index_cast %mul3A_81 : i32 to index
          %get3A_83 = tpu.vector_load %arg8[%get3A_82] {strides = array<i32>} : memref<8000xf32, #tpu.memory_space<vmem>>, vector<16xf32>,
          %get3A_84 = vector.shape_cast %get3A_83 : vector<16xf32> to vector<16xf32>
          %mul3A_85 = arith.mulf %get3A_79, %get3A_84 : vector<16xf32>
          %mul3A_86 = arith.constant 16 : i32
          %mul3A_87 = arith.muli %scan3A_73, %mul3A_86 : i32
          %swap3A_88 = arith.index_cast %mul3A_87 : i32 to index
          %swap3A_89 = tpu.vector_load %arg9[%swap3A_88] {strides = array<i32>} : memref<8000xf32, #tpu.memory_space<vmem>>, vector<16xf32>,
          %swap3A_90 = vector.shape_cast %swap3A_89 : vector<16xf32> to vector<16xf32>
          %swap3A_91 = vector.shape_cast %mul3A_85 : vector<16xf32> to vector<16xf32>
          tpu.vector_store %arg9[%swap3A_88], %swap3A_91 {strides = array<i32>} : memref<8000xf32, #tpu.memory_space<vmem>>, vector<16xf32>,
          %scan3A_92 = arith.constant 0 : i32
          scf.yield %scan3A_92 : i32
        }
        %scan3A_72 = arith.constant 500 : i32
      } else {
      }
      %not3A_55 = arith.constant true
      %not3A_56 = arith.xori %lt3A_2, %not3A_55 : i1
      %convert_element_type3A_57 = arith.extui %not3A_56 : i1 to i32
      %cond3A_58 = arith.constant 0 : i32
      %cond3A_59 = arith.cmpi ne, %convert_element_type3A_57, %cond3A_58 : i32
      scf.if %cond3A_59 {
        "tpu.region"() ({
          %run_scoped3A = tpu.sem_alloc : memref<!tpu.dma_semaphore, #tpu.memory_space<semaphore_mem>>
          %dma_start3A = tpu.memref_slice %arg4[%add3A_53] : memref<6400000xf32, #tpu.memory_space<hbm>> -> memref<8000xf32, #tpu.memory_space<hbm>>
          %dma_start3A_66 = tpu.memref_slice %arg4[%add3A_53] : memref<6400000xf32, #tpu.memory_space<hbm>> -> memref<8000xf32, #tpu.memory_space<hbm>>
          tpu.enqueue_dma source(%dma_start3A_66 : memref<8000xf32, #tpu.memory_space<hbm>>) target(%arg9 : memref<8000xf32, #tpu.memory_space<vmem>>) target_semaphore(%run_scoped3A : memref<!tpu.dma_semaphore, #tpu.memory_space<semaphore_mem>>)
          %dma_wait3A = tpu.memref_slice %arg4[%add3A_53] : memref<6400000xf32, #tpu.memory_space<hbm>> -> memref<8000xf32, #tpu.memory_space<hbm>>
          %dma_wait3A_67 = tpu.memref_slice %arg4[%add3A_53] : memref<6400000xf32, #tpu.memory_space<hbm>> -> memref<8000xf32, #tpu.memory_space<hbm>>
          tpu.wait_dma2 semaphore(%run_scoped3A : memref<!tpu.dma_semaphore, #tpu.memory_space<semaphore_mem>>) src(%dma_wait3A_67 : memref<8000xf32, #tpu.memory_space<hbm>>) dst(%arg9 : memref<8000xf32, #tpu.memory_space<vmem>>)
          tpu.yield
        }) : () -> ()
      } else {
      }
      %scan3A_60 = arith.constant 0 : i32
      %scan3A_61 = arith.constant 500 : i32
      %scan3A_62 = arith.addi %scan3A_60, %scan3A_61 : i32
      %scan3A_63 = arith.constant 1 : i32
      %scan3A_64:2 = scf.for %scan3A_66 = %scan3A_60 to %scan3A_62 step %scan3A_63 iter_args(%scan3A_67 = %scan3A_47, %scan3A_68 = %scan3A_48) -> (i32, f32)  : i32 {
        %mul3A_69 = arith.constant 16 : i32
        %mul3A_70 = arith.muli %scan3A_66, %mul3A_69 : i32
        %get3A_71 = arith.index_cast %mul3A_70 : i32 to index
        %get3A_72 = tpu.vector_load %arg6[%get3A_71] {strides = array<i32>} : memref<8000xi32, #tpu.memory_space<vmem>>, vector<16xi32>,
        %get3A_73 = vector.shape_cast %get3A_72 : vector<16xi32> to vector<16xi32>
        %shift_right_logical3A = arith.constant 1 : i32
        %shift_right_logical3A_74 = vector.broadcast %shift_right_logical3A : i32 to vector<16xi32>
        %shift_right_logical3A_75 = arith.shrui %get3A_73, %shift_right_logical3A_74 : vector<16xi32>
        %convert_element_type3A_76 = arith.sitofp %shift_right_logical3A_75 : vector<16xi32> to vector<16xf32>
        %mul3A_77 = arith.constant 5.55555569E-4 : f32
        %mul3A_78 = vector.broadcast %mul3A_77 : f32 to vector<16xf32>
        %mul3A_79 = arith.mulf %convert_element_type3A_76, %mul3A_78 : vector<16xf32>
        %convert_element_type3A_80 = arith.fptosi %mul3A_79 : vector<16xf32> to vector<16xi32>
        %mul3A_81 = arith.constant 1800 : i32
        %mul3A_82 = vector.broadcast %mul3A_81 : i32 to vector<16xi32>
        %mul3A_83 = arith.muli %convert_element_type3A_80, %mul3A_82 : vector<16xi32>
        %sub3A = arith.subi %shift_right_logical3A_75, %mul3A_83 : vector<16xi32>
        %lt3A_84 = arith.constant 0 : i32
        %lt3A_85 = vector.broadcast %lt3A_84 : i32 to vector<16xi32>
        %lt3A_86 = arith.cmpi slt, %sub3A, %lt3A_85 : vector<16xi32>
        %sub3A_87 = arith.constant 1 : i32
        %sub3A_88 = vector.broadcast %sub3A_87 : i32 to vector<16xi32>
        %sub3A_89 = arith.subi %convert_element_type3A_80, %sub3A_88 : vector<16xi32>
        %select_n3A_90 = arith.select %lt3A_86, %sub3A_89, %convert_element_type3A_80 : vector<16xi1>, vector<16xi32>
        %mul3A_91 = arith.constant 1800 : i32
        %mul3A_92 = vector.broadcast %mul3A_91 : i32 to vector<16xi32>
        %mul3A_93 = arith.muli %select_n3A_90, %mul3A_92 : vector<16xi32>
        %sub3A_94 = arith.subi %shift_right_logical3A_75, %mul3A_93 : vector<16xi32>
        %ge3A = arith.constant 1800 : i32
        %ge3A_95 = vector.broadcast %ge3A : i32 to vector<16xi32>
        %ge3A_96 = arith.cmpi sge, %sub3A_94, %ge3A_95 : vector<16xi32>
        %add3A_97 = arith.constant 1 : i32
        %add3A_98 = vector.broadcast %add3A_97 : i32 to vector<16xi32>
        %add3A_99 = arith.addi %select_n3A_90, %add3A_98 : vector<16xi32>
        %select_n3A_100 = arith.select %ge3A_96, %add3A_99, %select_n3A_90 : vector<16xi1>, vector<16xi32>
        %swap3A_101 = arith.constant 1 : index
        %swap3A_102 = tpu.vector_load %arg11[%swap3A_101] {strides = array<i32>} : memref<32xi32, #tpu.memory_space<vmem>>, vector<16xi32>,
        %swap3A_103 = vector.shape_cast %swap3A_102 : vector<16xi32> to vector<16xi32>
        %swap3A_104 = vector.shape_cast %select_n3A_100 : vector<16xi32> to vector<16xi32>
        tpu.vector_store %arg11[%swap3A_101], %swap3A_104 {strides = array<i32>} : memref<32xi32, #tpu.memory_space<vmem>>, vector<16xi32>,
        %get3A_105 = arith.constant 0 : index
        %get3A_106 = tpu.vector_load %arg11[%get3A_105] {strides = array<i32>} : memref<32xi32, #tpu.memory_space<vmem>>, vector<16xi32>,
        %get3A_107 = vector.shape_cast %get3A_106 : vector<16xi32> to vector<16xi32>
        %broadcast_in_dim3A_108 = vector.broadcast %scan3A_67 : i32 to vector<16xi32>
        %select_n3A_109 = arith.select %eq3A_4, %broadcast_in_dim3A_108, %get3A_107 : vector<16xi1>, vector<16xi32>
        %ne3A = arith.cmpi ne, %select_n3A_100, %select_n3A_109 : vector<16xi32>
        %get3A_110 = arith.index_cast %mul3A_70 : i32 to index
        %get3A_111 = tpu.vector_load %arg9[%get3A_110] {strides = array<i32>} : memref<8000xf32, #tpu.memory_space<vmem>>, vector<16xf32>,
        %get3A_112 = vector.shape_cast %get3A_111 : vector<16xf32> to vector<16xf32>
        %eq3A_113 = arith.cmpi eq, %select_n3A_100, %select_n3A_109 : vector<16xi32>
        %and3A_114 = arith.andi %eq3A_4, %eq3A_113 : vector<16xi1>
        %broadcast_in_dim3A_115 = vector.broadcast %scan3A_68 : f32 to vector<16xf32>
        %jit3A_116 = arith.constant 0.000000e+00 : f32
        %broadcast_in_dim3A_117 = vector.broadcast %jit3A_116 : f32 to vector<16xf32>
        %select_n3A_118 = arith.select %and3A_114, %broadcast_in_dim3A_115, %broadcast_in_dim3A_117 : vector<16xi1>, vector<16xf32>
        %add3A_119 = arith.addf %get3A_112, %select_n3A_118 : vector<16xf32>
        %swap3A_120 = arith.constant 16 : index
        %swap3A_121 = tpu.vector_load %arg10[%swap3A_120] {strides = array<i32>} : memref<48xf32, #tpu.memory_space<vmem>>, vector<16xf32>,
        %swap3A_122 = vector.shape_cast %swap3A_121 : vector<16xf32> to vector<16xf32>
        %swap3A_123 = vector.shape_cast %add3A_119 : vector<16xf32> to vector<16xf32>
        tpu.vector_store %arg10[%swap3A_120], %swap3A_123 {strides = array<i32>} : memref<48xf32, #tpu.memory_space<vmem>>, vector<16xf32>,
        %get3A_124 = arith.constant 15 : index
        %get3A_125 = tpu.vector_load %arg10[%get3A_124] {strides = array<i32>} : memref<48xf32, #tpu.memory_space<vmem>>, vector<16xf32>,
        %get3A_126 = vector.shape_cast %get3A_125 : vector<16xf32> to vector<16xf32>
        %add3A_127 = arith.addf %add3A_119, %get3A_126 : vector<16xf32>
        %swap3A_128 = arith.constant 16 : index
        %swap3A_129 = tpu.vector_load %arg10[%swap3A_128] {strides = array<i32>} : memref<48xf32, #tpu.memory_space<vmem>>, vector<16xf32>,
        %swap3A_130 = vector.shape_cast %swap3A_129 : vector<16xf32> to vector<16xf32>
        %swap3A_131 = vector.shape_cast %add3A_127 : vector<16xf32> to vector<16xf32>
        tpu.vector_store %arg10[%swap3A_128], %swap3A_131 {strides = array<i32>} : memref<48xf32, #tpu.memory_space<vmem>>, vector<16xf32>,
        %get3A_132 = arith.constant 14 : index
        %get3A_133 = tpu.vector_load %arg10[%get3A_132] {strides = array<i32>} : memref<48xf32, #tpu.memory_space<vmem>>, vector<16xf32>,
        %get3A_134 = vector.shape_cast %get3A_133 : vector<16xf32> to vector<16xf32>
        %add3A_135 = arith.addf %add3A_127, %get3A_134 : vector<16xf32>
        %swap3A_136 = arith.constant 16 : index
        %swap3A_137 = tpu.vector_load %arg10[%swap3A_136] {strides = array<i32>} : memref<48xf32, #tpu.memory_space<vmem>>, vector<16xf32>,
        %swap3A_138 = vector.shape_cast %swap3A_137 : vector<16xf32> to vector<16xf32>
        %swap3A_139 = vector.shape_cast %add3A_135 : vector<16xf32> to vector<16xf32>
        tpu.vector_store %arg10[%swap3A_136], %swap3A_139 {strides = array<i32>} : memref<48xf32, #tpu.memory_space<vmem>>, vector<16xf32>,
        %get3A_140 = arith.constant 12 : index
        %get3A_141 = tpu.vector_load %arg10[%get3A_140] {strides = array<i32>} : memref<48xf32, #tpu.memory_space<vmem>>, vector<16xf32>,
        %get3A_142 = vector.shape_cast %get3A_141 : vector<16xf32> to vector<16xf32>
        %add3A_143 = arith.addf %add3A_135, %get3A_142 : vector<16xf32>
        %swap3A_144 = arith.constant 16 : index
        %swap3A_145 = tpu.vector_load %arg10[%swap3A_144] {strides = array<i32>} : memref<48xf32, #tpu.memory_space<vmem>>, vector<16xf32>,
        %swap3A_146 = vector.shape_cast %swap3A_145 : vector<16xf32> to vector<16xf32>
        %swap3A_147 = vector.shape_cast %add3A_143 : vector<16xf32> to vector<16xf32>
        tpu.vector_store %arg10[%swap3A_144], %swap3A_147 {strides = array<i32>} : memref<48xf32, #tpu.memory_space<vmem>>, vector<16xf32>,
        %get3A_148 = arith.constant 8 : index
        %get3A_149 = tpu.vector_load %arg10[%get3A_148] {strides = array<i32>} : memref<48xf32, #tpu.memory_space<vmem>>, vector<16xf32>,
        %get3A_150 = vector.shape_cast %get3A_149 : vector<16xf32> to vector<16xf32>
        %add3A_151 = arith.addf %add3A_143, %get3A_150 : vector<16xf32>
        %swap3A_152 = arith.constant 16 : index
        %swap3A_153 = tpu.vector_load %arg10[%swap3A_152] {strides = array<i32>} : memref<48xf32, #tpu.memory_space<vmem>>, vector<16xf32>,
        %swap3A_154 = vector.shape_cast %swap3A_153 : vector<16xf32> to vector<16xf32>
        %swap3A_155 = vector.shape_cast %add3A_151 : vector<16xf32> to vector<16xf32>
        tpu.vector_store %arg10[%swap3A_152], %swap3A_155 {strides = array<i32>} : memref<48xf32, #tpu.memory_space<vmem>>, vector<16xf32>,
        %jit3A_156 = arith.constant 1 : i32
        %jit3A_157 = arith.constant 0 : i32
        %broadcast_in_dim3A_158 = vector.broadcast %jit3A_156 : i32 to vector<16xi32>
        %broadcast_in_dim3A_159 = vector.broadcast %jit3A_157 : i32 to vector<16xi32>
        %select_n3A_160 = arith.select %ne3A, %broadcast_in_dim3A_158, %broadcast_in_dim3A_159 : vector<16xi1>, vector<16xi32>
        %swap3A_161 = arith.constant 16 : index
        %swap3A_162 = tpu.vector_load %arg12[%swap3A_161] {strides = array<i32>} : memref<48xi32, #tpu.memory_space<vmem>>, vector<16xi32>,
        %swap3A_163 = vector.shape_cast %swap3A_162 : vector<16xi32> to vector<16xi32>
        %swap3A_164 = vector.shape_cast %select_n3A_160 : vector<16xi32> to vector<16xi32>
        tpu.vector_store %arg12[%swap3A_161], %swap3A_164 {strides = array<i32>} : memref<48xi32, #tpu.memory_space<vmem>>, vector<16xi32>,
        %get3A_165 = arith.constant 15 : index
        %get3A_166 = tpu.vector_load %arg12[%get3A_165] {strides = array<i32>} : memref<48xi32, #tpu.memory_space<vmem>>, vector<16xi32>,
        %get3A_167 = vector.shape_cast %get3A_166 : vector<16xi32> to vector<16xi32>
        %add3A_168 = arith.addi %select_n3A_160, %get3A_167 : vector<16xi32>
        %swap3A_169 = arith.constant 16 : index
        %swap3A_170 = tpu.vector_load %arg12[%swap3A_169] {strides = array<i32>} : memref<48xi32, #tpu.memory_space<vmem>>, vector<16xi32>,
        %swap3A_171 = vector.shape_cast %swap3A_170 : vector<16xi32> to vector<16xi32>
        %swap3A_172 = vector.shape_cast %add3A_168 : vector<16xi32> to vector<16xi32>
        tpu.vector_store %arg12[%swap3A_169], %swap3A_172 {strides = array<i32>} : memref<48xi32, #tpu.memory_space<vmem>>, vector<16xi32>,
        %get3A_173 = arith.constant 14 : index
        %get3A_174 = tpu.vector_load %arg12[%get3A_173] {strides = array<i32>} : memref<48xi32, #tpu.memory_space<vmem>>, vector<16xi32>,
        %get3A_175 = vector.shape_cast %get3A_174 : vector<16xi32> to vector<16xi32>
        %add3A_176 = arith.addi %add3A_168, %get3A_175 : vector<16xi32>
        %swap3A_177 = arith.constant 16 : index
        %swap3A_178 = tpu.vector_load %arg12[%swap3A_177] {strides = array<i32>} : memref<48xi32, #tpu.memory_space<vmem>>, vector<16xi32>,
        %swap3A_179 = vector.shape_cast %swap3A_178 : vector<16xi32> to vector<16xi32>
        %swap3A_180 = vector.shape_cast %add3A_176 : vector<16xi32> to vector<16xi32>
        tpu.vector_store %arg12[%swap3A_177], %swap3A_180 {strides = array<i32>} : memref<48xi32, #tpu.memory_space<vmem>>, vector<16xi32>,
        %get3A_181 = arith.constant 12 : index
        %get3A_182 = tpu.vector_load %arg12[%get3A_181] {strides = array<i32>} : memref<48xi32, #tpu.memory_space<vmem>>, vector<16xi32>,
        %get3A_183 = vector.shape_cast %get3A_182 : vector<16xi32> to vector<16xi32>
        %add3A_184 = arith.addi %add3A_176, %get3A_183 : vector<16xi32>
        %swap3A_185 = arith.constant 16 : index
        %swap3A_186 = tpu.vector_load %arg12[%swap3A_185] {strides = array<i32>} : memref<48xi32, #tpu.memory_space<vmem>>, vector<16xi32>,
        %swap3A_187 = vector.shape_cast %swap3A_186 : vector<16xi32> to vector<16xi32>
        %swap3A_188 = vector.shape_cast %add3A_184 : vector<16xi32> to vector<16xi32>
        tpu.vector_store %arg12[%swap3A_185], %swap3A_188 {strides = array<i32>} : memref<48xi32, #tpu.memory_space<vmem>>, vector<16xi32>,
        %get3A_189 = arith.constant 8 : index
        %get3A_190 = tpu.vector_load %arg12[%get3A_189] {strides = array<i32>} : memref<48xi32, #tpu.memory_space<vmem>>, vector<16xi32>,
        %get3A_191 = vector.shape_cast %get3A_190 : vector<16xi32> to vector<16xi32>
        %add3A_192 = arith.addi %add3A_184, %get3A_191 : vector<16xi32>
        %swap3A_193 = arith.constant 16 : index
        %swap3A_194 = tpu.vector_load %arg12[%swap3A_193] {strides = array<i32>} : memref<48xi32, #tpu.memory_space<vmem>>, vector<16xi32>,
        %swap3A_195 = vector.shape_cast %swap3A_194 : vector<16xi32> to vector<16xi32>
        %swap3A_196 = vector.shape_cast %add3A_192 : vector<16xi32> to vector<16xi32>
        tpu.vector_store %arg12[%swap3A_193], %swap3A_196 {strides = array<i32>} : memref<48xi32, #tpu.memory_space<vmem>>, vector<16xi32>,
        %get3A_197 = arith.constant 31 : index
        %get3A_198 = tpu.vector_load %arg12[%get3A_197] {strides = array<i32>} : memref<48xi32, #tpu.memory_space<vmem>>, vector<16xi32>,
        %get3A_199 = vector.shape_cast %get3A_198 : vector<16xi32> to vector<16xi32>
        %slice3A = vector.extract_strided_slice %get3A_199 {offsets = [0], sizes = [1], strides = [1]} : vector<16xi32> to vector<1xi32>
        %squeeze3A = vector.extract %slice3A[0] : i32 from vector<1xi32>
        %jit3A_200 = arith.constant 1 : i32
        %jit3A_201 = arith.constant 0 : i32
        %broadcast_in_dim3A_202 = vector.broadcast %jit3A_200 : i32 to vector<16xi32>
        %broadcast_in_dim3A_203 = vector.broadcast %jit3A_201 : i32 to vector<16xi32>
        %select_n3A_204 = arith.select %ne3A, %broadcast_in_dim3A_202, %broadcast_in_dim3A_203 : vector<16xi1>, vector<16xi32>
        %swap3A_205 = arith.constant 16 : index
        %swap3A_206 = tpu.vector_load %arg12[%swap3A_205] {strides = array<i32>} : memref<48xi32, #tpu.memory_space<vmem>>, vector<16xi32>,
        %swap3A_207 = vector.shape_cast %swap3A_206 : vector<16xi32> to vector<16xi32>
        %swap3A_208 = vector.shape_cast %select_n3A_204 : vector<16xi32> to vector<16xi32>
        tpu.vector_store %arg12[%swap3A_205], %swap3A_208 {strides = array<i32>} : memref<48xi32, #tpu.memory_space<vmem>>, vector<16xi32>,
        %gt3A = arith.constant 0 : i32
        %gt3A_209 = arith.cmpi sgt, %squeeze3A, %gt3A : i32
        %convert_element_type3A_210 = arith.extui %gt3A_209 : i1 to i32
        %cond3A_211 = arith.constant 0 : i32
        %cond3A_212 = arith.cmpi ne, %convert_element_type3A_210, %cond3A_211 : i32
        %cond3A_213 = scf.if %cond3A_212 -> (i32) {
          %scan3A_224 = arith.constant 0 : i32
          %scan3A_225 = arith.constant 0 : i32
          %scan3A_226 = arith.constant 16 : i32
          %scan3A_227 = arith.addi %scan3A_225, %scan3A_226 : i32
          %scan3A_228 = arith.constant 1 : i32
          %scan3A_229 = scf.for %scan3A_231 = %scan3A_225 to %scan3A_227 step %scan3A_228 iter_args(%scan3A_232 = %scan3A_224) -> (i32)  : i32 {
            %add3A_233 = arith.constant 16 : i32
            %add3A_234 = arith.addi %add3A_233, %scan3A_231 : i32
            %get3A_235 = arith.index_cast %add3A_234 : i32 to index
            %get3A_236 = tpu.vector_load %arg12[%get3A_235] {strides = array<i32>} : memref<48xi32, #tpu.memory_space<vmem>>, vector<16xi32>,
            %get3A_237 = vector.shape_cast %get3A_236 : vector<16xi32> to vector<16xi32>
            %slice3A_238 = vector.extract_strided_slice %get3A_237 {offsets = [0], sizes = [1], strides = [1]} : vector<16xi32> to vector<1xi32>
            %squeeze3A_239 = vector.extract %slice3A_238[0] : i32 from vector<1xi32>
            %eq3A_240 = arith.constant 1 : i32
            %eq3A_241 = arith.cmpi eq, %squeeze3A_239, %eq3A_240 : i32
            %convert_element_type3A_242 = arith.extui %eq3A_241 : i1 to i32
            %cond3A_243 = arith.constant 0 : i32
            %cond3A_244 = arith.cmpi ne, %convert_element_type3A_242, %cond3A_243 : i32
            %cond3A_245 = scf.if %cond3A_244 -> (i32) {
              %eq3A_246 = arith.constant 0 : i32
              %eq3A_247 = arith.cmpi eq, %scan3A_231, %eq3A_246 : i32
              %add3A_248 = arith.constant 15 : i32
              %add3A_249 = arith.addi %add3A_248, %scan3A_231 : i32
              %get3A_250 = arith.index_cast %add3A_249 : i32 to index
              %get3A_251 = tpu.vector_load %arg10[%get3A_250] {strides = array<i32>} : memref<48xf32, #tpu.memory_space<vmem>>, vector<16xf32>,
              %get3A_252 = vector.shape_cast %get3A_251 : vector<16xf32> to vector<16xf32>
              %slice3A_253 = vector.extract_strided_slice %get3A_252 {offsets = [0], sizes = [1], strides = [1]} : vector<16xf32> to vector<1xf32>
              %squeeze3A_254 = vector.extract %slice3A_253[0] : f32 from vector<1xf32>
              %select_n3A_255 = arith.select %eq3A_247, %scan3A_68, %squeeze3A_254 : f32
              %eq3A_256 = arith.constant 0 : i32
              %eq3A_257 = arith.cmpi eq, %scan3A_231, %eq3A_256 : i32
              %get3A_258 = arith.index_cast %scan3A_231 : i32 to index
              %get3A_259 = tpu.vector_load %arg11[%get3A_258] {strides = array<i32>} : memref<32xi32, #tpu.memory_space<vmem>>, vector<16xi32>,
              %get3A_260 = vector.shape_cast %get3A_259 : vector<16xi32> to vector<16xi32>
              %slice3A_261 = vector.extract_strided_slice %get3A_260 {offsets = [0], sizes = [1], strides = [1]} : vector<16xi32> to vector<1xi32>
              %squeeze3A_262 = vector.extract %slice3A_261[0] : i32 from vector<1xi32>
              %select_n3A_263 = arith.select %eq3A_257, %scan3A_67, %squeeze3A_262 : i32
              %lt3A_264 = arith.constant 0 : i32
              %lt3A_265 = arith.cmpi slt, %select_n3A_263, %lt3A_264 : i32
              %jit3A_266 = arith.constant 8832 : i32
              %select_n3A_267 = arith.select %lt3A_265, %jit3A_266, %select_n3A_263 : i32
              %not3A_268 = arith.constant 15 : i32
              %not3A_269 = arith.constant -1 : i32
              %not3A_270 = arith.xori %not3A_268, %not3A_269 : i32
              %and3A_271 = arith.andi %select_n3A_267, %not3A_270 : i32
              %and3A_272 = arith.constant 15 : i32
              %and3A_273 = arith.andi %select_n3A_267, %and3A_272 : i32
              %get3A_274 = arith.index_cast %and3A_271 : i32 to index
              %get3A_275 = tpu.vector_load %arg13[%get3A_274] {strides = array<i32>} : memref<8848xf32, #tpu.memory_space<vmem>>, vector<16xf32>,
              %get3A_276 = vector.shape_cast %get3A_275 : vector<16xf32> to vector<16xf32>
              %eq3A_277 = vector.broadcast %and3A_273 : i32 to vector<16xi32>
              %eq3A_278 = arith.cmpi eq, %iota3A, %eq3A_277 : vector<16xi32>
              %broadcast_in_dim3A_279 = vector.broadcast %select_n3A_255 : f32 to vector<16xf32>
              %select_n3A_280 = arith.select %eq3A_278, %broadcast_in_dim3A_279, %get3A_276 : vector<16xi1>, vector<16xf32>
              %swap3A_281 = arith.index_cast %and3A_271 : i32 to index
              %swap3A_282 = tpu.vector_load %arg13[%swap3A_281] {strides = array<i32>} : memref<8848xf32, #tpu.memory_space<vmem>>, vector<16xf32>,
              %swap3A_283 = vector.shape_cast %swap3A_282 : vector<16xf32> to vector<16xf32>
              %swap3A_284 = vector.shape_cast %select_n3A_280 : vector<16xf32> to vector<16xf32>
              tpu.vector_store %arg13[%swap3A_281], %swap3A_284 {strides = array<i32>} : memref<8848xf32, #tpu.memory_space<vmem>>, vector<16xf32>,
              %ge3A_285 = vector.broadcast %scan3A_231 : i32 to vector<16xi32>
              %ge3A_286 = arith.cmpi sge, %iota3A, %ge3A_285 : vector<16xi32>
              %get3A_287 = arith.index_cast %mul3A_70 : i32 to index
              %get3A_288 = tpu.vector_load %arg9[%get3A_287] {strides = array<i32>} : memref<8000xf32, #tpu.memory_space<vmem>>, vector<16xf32>,
              %get3A_289 = vector.shape_cast %get3A_288 : vector<16xf32> to vector<16xf32>
              %jit3A_290 = arith.constant 0.000000e+00 : f32
              %broadcast_in_dim3A_291 = vector.broadcast %jit3A_290 : f32 to vector<16xf32>
              %select_n3A_292 = arith.select %ge3A_286, %get3A_289, %broadcast_in_dim3A_291 : vector<16xi1>, vector<16xf32>
              %swap3A_293 = arith.constant 16 : index
              %swap3A_294 = tpu.vector_load %arg10[%swap3A_293] {strides = array<i32>} : memref<48xf32, #tpu.memory_space<vmem>>, vector<16xf32>,
              %swap3A_295 = vector.shape_cast %swap3A_294 : vector<16xf32> to vector<16xf32>
              %swap3A_296 = vector.shape_cast %select_n3A_292 : vector<16xf32> to vector<16xf32>
              tpu.vector_store %arg10[%swap3A_293], %swap3A_296 {strides = array<i32>} : memref<48xf32, #tpu.memory_space<vmem>>, vector<16xf32>,
              %get3A_297 = arith.constant 15 : index
              %get3A_298 = tpu.vector_load %arg10[%get3A_297] {strides = array<i32>} : memref<48xf32, #tpu.memory_space<vmem>>, vector<16xf32>,
              %get3A_299 = vector.shape_cast %get3A_298 : vector<16xf32> to vector<16xf32>
              %add3A_300 = arith.addf %select_n3A_292, %get3A_299 : vector<16xf32>
              %swap3A_301 = arith.constant 16 : index
              %swap3A_302 = tpu.vector_load %arg10[%swap3A_301] {strides = array<i32>} : memref<48xf32, #tpu.memory_space<vmem>>, vector<16xf32>,
              %swap3A_303 = vector.shape_cast %swap3A_302 : vector<16xf32> to vector<16xf32>
              %swap3A_304 = vector.shape_cast %add3A_300 : vector<16xf32> to vector<16xf32>
              tpu.vector_store %arg10[%swap3A_301], %swap3A_304 {strides = array<i32>} : memref<48xf32, #tpu.memory_space<vmem>>, vector<16xf32>,
              %get3A_305 = arith.constant 14 : index
              %get3A_306 = tpu.vector_load %arg10[%get3A_305] {strides = array<i32>} : memref<48xf32, #tpu.memory_space<vmem>>, vector<16xf32>,
              %get3A_307 = vector.shape_cast %get3A_306 : vector<16xf32> to vector<16xf32>
              %add3A_308 = arith.addf %add3A_300, %get3A_307 : vector<16xf32>
              %swap3A_309 = arith.constant 16 : index
              %swap3A_310 = tpu.vector_load %arg10[%swap3A_309] {strides = array<i32>} : memref<48xf32, #tpu.memory_space<vmem>>, vector<16xf32>,
              %swap3A_311 = vector.shape_cast %swap3A_310 : vector<16xf32> to vector<16xf32>
              %swap3A_312 = vector.shape_cast %add3A_308 : vector<16xf32> to vector<16xf32>
              tpu.vector_store %arg10[%swap3A_309], %swap3A_312 {strides = array<i32>} : memref<48xf32, #tpu.memory_space<vmem>>, vector<16xf32>,
              %get3A_313 = arith.constant 12 : index
              %get3A_314 = tpu.vector_load %arg10[%get3A_313] {strides = array<i32>} : memref<48xf32, #tpu.memory_space<vmem>>, vector<16xf32>,
              %get3A_315 = vector.shape_cast %get3A_314 : vector<16xf32> to vector<16xf32>
              %add3A_316 = arith.addf %add3A_308, %get3A_315 : vector<16xf32>
              %swap3A_317 = arith.constant 16 : index
              %swap3A_318 = tpu.vector_load %arg10[%swap3A_317] {strides = array<i32>} : memref<48xf32, #tpu.memory_space<vmem>>, vector<16xf32>,
              %swap3A_319 = vector.shape_cast %swap3A_318 : vector<16xf32> to vector<16xf32>
              %swap3A_320 = vector.shape_cast %add3A_316 : vector<16xf32> to vector<16xf32>
              tpu.vector_store %arg10[%swap3A_317], %swap3A_320 {strides = array<i32>} : memref<48xf32, #tpu.memory_space<vmem>>, vector<16xf32>,
              %get3A_321 = arith.constant 8 : index
              %get3A_322 = tpu.vector_load %arg10[%get3A_321] {strides = array<i32>} : memref<48xf32, #tpu.memory_space<vmem>>, vector<16xf32>,
              %get3A_323 = vector.shape_cast %get3A_322 : vector<16xf32> to vector<16xf32>
              %add3A_324 = arith.addf %add3A_316, %get3A_323 : vector<16xf32>
              %swap3A_325 = arith.constant 16 : index
              %swap3A_326 = tpu.vector_load %arg10[%swap3A_325] {strides = array<i32>} : memref<48xf32, #tpu.memory_space<vmem>>, vector<16xf32>,
              %swap3A_327 = vector.shape_cast %swap3A_326 : vector<16xf32> to vector<16xf32>
              %swap3A_328 = vector.shape_cast %add3A_324 : vector<16xf32> to vector<16xf32>
              tpu.vector_store %arg10[%swap3A_325], %swap3A_328 {strides = array<i32>} : memref<48xf32, #tpu.memory_space<vmem>>, vector<16xf32>,
              %cond3A_329 = arith.constant 0 : i32
              scf.yield %cond3A_329 : i32
            } else {
              %cond3A_246 = arith.constant 0 : i32
              scf.yield %cond3A_246 : i32
            }
            scf.yield %cond3A_245 : i32
          }
          %scan3A_230 = arith.constant 16 : i32
          scf.yield %scan3A_229 : i32
        } else {
          %cond3A_224 = arith.constant 0 : i32
          scf.yield %cond3A_224 : i32
        }
        %get3A_214 = arith.constant 16 : index
        %get3A_215 = tpu.vector_load %arg11[%get3A_214] {strides = array<i32>} : memref<32xi32, #tpu.memory_space<vmem>>, vector<16xi32>,
        %get3A_216 = vector.shape_cast %get3A_215 : vector<16xi32> to vector<16xi32>
        %slice3A_217 = vector.extract_strided_slice %get3A_216 {offsets = [0], sizes = [1], strides = [1]} : vector<16xi32> to vector<1xi32>
        %squeeze3A_218 = vector.extract %slice3A_217[0] : i32 from vector<1xi32>
        %get3A_219 = arith.constant 31 : index
        %get3A_220 = tpu.vector_load %arg10[%get3A_219] {strides = array<i32>} : memref<48xf32, #tpu.memory_space<vmem>>, vector<16xf32>,
        %get3A_221 = vector.shape_cast %get3A_220 : vector<16xf32> to vector<16xf32>
        %slice3A_222 = vector.extract_strided_slice %get3A_221 {offsets = [0], sizes = [1], strides = [1]} : vector<16xf32> to vector<1xf32>
        %squeeze3A_223 = vector.extract %slice3A_222[0] : f32 from vector<1xf32>
        scf.yield %squeeze3A_218, %squeeze3A_223 : i32, f32
      }
      %scan3A_65 = arith.constant 500 : i32
      scf.yield %scan3A_64#0, %scan3A_64#1 : i32, f32
    }
    %scan3A_28 = arith.constant 50 : i32
    %lt3A_29 = arith.constant 0 : i32
    %lt3A_30 = arith.cmpi slt, %scan3A_27#0, %lt3A_29 : i32
    %jit3A = arith.constant 8832 : i32
    %select_n3A = arith.select %lt3A_30, %jit3A, %scan3A_27#0 : i32
    %not3A = arith.constant 15 : i32
    %not3A_31 = arith.constant -1 : i32
    %not3A_32 = arith.xori %not3A, %not3A_31 : i32
    %and3A_33 = arith.andi %select_n3A, %not3A_32 : i32
    %and3A_34 = arith.constant 15 : i32
    %and3A_35 = arith.andi %select_n3A, %and3A_34 : i32
    %get3A = arith.index_cast %and3A_33 : i32 to index
    %get3A_36 = tpu.vector_load %arg13[%get3A] {strides = array<i32>} : memref<8848xf32, #tpu.memory_space<vmem>>, vector<16xf32>,
    %get3A_37 = vector.shape_cast %get3A_36 : vector<16xf32> to vector<16xf32>
    %eq3A_38 = vector.broadcast %and3A_35 : i32 to vector<16xi32>
    %eq3A_39 = arith.cmpi eq, %iota3A, %eq3A_38 : vector<16xi32>
    %broadcast_in_dim3A_40 = vector.broadcast %scan3A_27#1 : f32 to vector<16xf32>
    %select_n3A_41 = arith.select %eq3A_39, %broadcast_in_dim3A_40, %get3A_37 : vector<16xi1>, vector<16xf32>
    %swap3A_42 = arith.index_cast %and3A_33 : i32 to index
    %swap3A_43 = tpu.vector_load %arg13[%swap3A_42] {strides = array<i32>} : memref<8848xf32, #tpu.memory_space<vmem>>, vector<16xf32>,
    %swap3A_44 = vector.shape_cast %swap3A_43 : vector<16xf32> to vector<16xf32>
    %swap3A_45 = vector.shape_cast %select_n3A_41 : vector<16xf32> to vector<16xf32>
    tpu.vector_store %arg13[%swap3A_42], %swap3A_45 {strides = array<i32>} : memref<8848xf32, #tpu.memory_space<vmem>>, vector<16xf32>,
    "tpu.region"() ({
      %run_scoped3A = tpu.sem_alloc : memref<!tpu.dma_semaphore, #tpu.memory_space<semaphore_mem>>
      %dma_start3A = arith.constant 0 : i32
      %dma_start3A_46 = tpu.memref_slice %arg5[%add3A, %dma_start3A] : memref<32x8848xf32, #tpu.memory_space<hbm>> -> memref<1x8848xf32, #tpu.memory_space<hbm>>
      %dma_start3A_47 = tpu.memref_squeeze %dma_start3A_46 : memref<1x8848xf32, #tpu.memory_space<hbm>> -> memref<8848xf32, #tpu.memory_space<hbm>>
      %dma_start3A_48 = arith.constant 0 : i32
      %dma_start3A_49 = tpu.memref_slice %arg5[%add3A, %dma_start3A_48] : memref<32x8848xf32, #tpu.memory_space<hbm>> -> memref<1x8848xf32, #tpu.memory_space<hbm>>
      %dma_start3A_50 = tpu.memref_squeeze %dma_start3A_49 : memref<1x8848xf32, #tpu.memory_space<hbm>> -> memref<8848xf32, #tpu.memory_space<hbm>>
      tpu.enqueue_dma source(%arg13 : memref<8848xf32, #tpu.memory_space<vmem>>) target(%dma_start3A_50 : memref<8848xf32, #tpu.memory_space<hbm>>) target_semaphore(%run_scoped3A : memref<!tpu.dma_semaphore, #tpu.memory_space<semaphore_mem>>)
      %dma_wait3A = arith.constant 0 : i32
      %dma_wait3A_51 = tpu.memref_slice %arg5[%add3A, %dma_wait3A] : memref<32x8848xf32, #tpu.memory_space<hbm>> -> memref<1x8848xf32, #tpu.memory_space<hbm>>
      %dma_wait3A_52 = tpu.memref_squeeze %dma_wait3A_51 : memref<1x8848xf32, #tpu.memory_space<hbm>> -> memref<8848xf32, #tpu.memory_space<hbm>>
      %dma_wait3A_53 = arith.constant 0 : i32
      %dma_wait3A_54 = tpu.memref_slice %arg5[%add3A, %dma_wait3A_53] : memref<32x8848xf32, #tpu.memory_space<hbm>> -> memref<1x8848xf32, #tpu.memory_space<hbm>>
      %dma_wait3A_55 = tpu.memref_squeeze %dma_wait3A_54 : memref<1x8848xf32, #tpu.memory_space<hbm>> -> memref<8848xf32, #tpu.memory_space<hbm>>
      tpu.wait_dma2 semaphore(%run_scoped3A : memref<!tpu.dma_semaphore, #tpu.memory_space<semaphore_mem>>) src(%arg13 : memref<8848xf32, #tpu.memory_space<vmem>>) dst(%dma_wait3A_55 : memref<8848xf32, #tpu.memory_space<hbm>>)
      tpu.yield
    }) : () -> ()
    return
  }
}

module attributes {stable_mosaic.version = 14 : i64} {
  func.func @_tc_epilogue(%arg0: memref<32x69x128xf32, #tpu.memory_space<vmem>>, %arg1: memref<128x128xf32, #tpu.memory_space<vmem>>, %arg2: memref<128x128xf32, #tpu.memory_space<vmem>>) attributes {dimension_semantics = [], scalar_prefetch = 0 : i64, scratch_operands = 0 : i64, tpu.core_type = #tpu.core_type<tc>} {
    %get3A = arith.constant 0 : index
    %get3A_0 = arith.constant 0 : index
    %get3A_1 = arith.constant 0 : index
    %get3A_2 = vector.load %arg0[%get3A, %get3A_0, %get3A_1] : memref<32x69x128xf32, #tpu.memory_space<vmem>>, vector<1x69x128xf32>
    %get3A_3 = vector.shape_cast %get3A_2 : vector<1x69x128xf32> to vector<69x128xf32>
    %get3A_4 = arith.constant 16 : index
    %get3A_5 = arith.constant 0 : index
    %get3A_6 = arith.constant 0 : index
    %get3A_7 = vector.load %arg0[%get3A_4, %get3A_5, %get3A_6] : memref<32x69x128xf32, #tpu.memory_space<vmem>>, vector<1x69x128xf32>
    %get3A_8 = vector.shape_cast %get3A_7 : vector<1x69x128xf32> to vector<69x128xf32>
    %get3A_9 = arith.constant 1 : index
    %get3A_10 = arith.constant 0 : index
    %get3A_11 = arith.constant 0 : index
    %get3A_12 = vector.load %arg0[%get3A_9, %get3A_10, %get3A_11] : memref<32x69x128xf32, #tpu.memory_space<vmem>>, vector<1x69x128xf32>
    %get3A_13 = vector.shape_cast %get3A_12 : vector<1x69x128xf32> to vector<69x128xf32>
    %add3A = arith.addf %get3A_3, %get3A_13 : vector<69x128xf32>
    %get3A_14 = arith.constant 17 : index
    %get3A_15 = arith.constant 0 : index
    %get3A_16 = arith.constant 0 : index
    %get3A_17 = vector.load %arg0[%get3A_14, %get3A_15, %get3A_16] : memref<32x69x128xf32, #tpu.memory_space<vmem>>, vector<1x69x128xf32>
    %get3A_18 = vector.shape_cast %get3A_17 : vector<1x69x128xf32> to vector<69x128xf32>
    %add3A_19 = arith.addf %get3A_8, %get3A_18 : vector<69x128xf32>
    %get3A_20 = arith.constant 2 : index
    %get3A_21 = arith.constant 0 : index
    %get3A_22 = arith.constant 0 : index
    %get3A_23 = vector.load %arg0[%get3A_20, %get3A_21, %get3A_22] : memref<32x69x128xf32, #tpu.memory_space<vmem>>, vector<1x69x128xf32>
    %get3A_24 = vector.shape_cast %get3A_23 : vector<1x69x128xf32> to vector<69x128xf32>
    %add3A_25 = arith.addf %add3A, %get3A_24 : vector<69x128xf32>
    %get3A_26 = arith.constant 18 : index
    %get3A_27 = arith.constant 0 : index
    %get3A_28 = arith.constant 0 : index
    %get3A_29 = vector.load %arg0[%get3A_26, %get3A_27, %get3A_28] : memref<32x69x128xf32, #tpu.memory_space<vmem>>, vector<1x69x128xf32>
    %get3A_30 = vector.shape_cast %get3A_29 : vector<1x69x128xf32> to vector<69x128xf32>
    %add3A_31 = arith.addf %add3A_19, %get3A_30 : vector<69x128xf32>
    %get3A_32 = arith.constant 3 : index
    %get3A_33 = arith.constant 0 : index
    %get3A_34 = arith.constant 0 : index
    %get3A_35 = vector.load %arg0[%get3A_32, %get3A_33, %get3A_34] : memref<32x69x128xf32, #tpu.memory_space<vmem>>, vector<1x69x128xf32>
    %get3A_36 = vector.shape_cast %get3A_35 : vector<1x69x128xf32> to vector<69x128xf32>
    %add3A_37 = arith.addf %add3A_25, %get3A_36 : vector<69x128xf32>
    %get3A_38 = arith.constant 19 : index
    %get3A_39 = arith.constant 0 : index
    %get3A_40 = arith.constant 0 : index
    %get3A_41 = vector.load %arg0[%get3A_38, %get3A_39, %get3A_40] : memref<32x69x128xf32, #tpu.memory_space<vmem>>, vector<1x69x128xf32>
    %get3A_42 = vector.shape_cast %get3A_41 : vector<1x69x128xf32> to vector<69x128xf32>
    %add3A_43 = arith.addf %add3A_31, %get3A_42 : vector<69x128xf32>
    %get3A_44 = arith.constant 4 : index
    %get3A_45 = arith.constant 0 : index
    %get3A_46 = arith.constant 0 : index
    %get3A_47 = vector.load %arg0[%get3A_44, %get3A_45, %get3A_46] : memref<32x69x128xf32, #tpu.memory_space<vmem>>, vector<1x69x128xf32>
    %get3A_48 = vector.shape_cast %get3A_47 : vector<1x69x128xf32> to vector<69x128xf32>
    %add3A_49 = arith.addf %add3A_37, %get3A_48 : vector<69x128xf32>
    %get3A_50 = arith.constant 20 : index
    %get3A_51 = arith.constant 0 : index
    %get3A_52 = arith.constant 0 : index
    %get3A_53 = vector.load %arg0[%get3A_50, %get3A_51, %get3A_52] : memref<32x69x128xf32, #tpu.memory_space<vmem>>, vector<1x69x128xf32>
    %get3A_54 = vector.shape_cast %get3A_53 : vector<1x69x128xf32> to vector<69x128xf32>
    %add3A_55 = arith.addf %add3A_43, %get3A_54 : vector<69x128xf32>
    %get3A_56 = arith.constant 5 : index
    %get3A_57 = arith.constant 0 : index
    %get3A_58 = arith.constant 0 : index
    %get3A_59 = vector.load %arg0[%get3A_56, %get3A_57, %get3A_58] : memref<32x69x128xf32, #tpu.memory_space<vmem>>, vector<1x69x128xf32>
    %get3A_60 = vector.shape_cast %get3A_59 : vector<1x69x128xf32> to vector<69x128xf32>
    %add3A_61 = arith.addf %add3A_49, %get3A_60 : vector<69x128xf32>
    %get3A_62 = arith.constant 21 : index
    %get3A_63 = arith.constant 0 : index
    %get3A_64 = arith.constant 0 : index
    %get3A_65 = vector.load %arg0[%get3A_62, %get3A_63, %get3A_64] : memref<32x69x128xf32, #tpu.memory_space<vmem>>, vector<1x69x128xf32>
    %get3A_66 = vector.shape_cast %get3A_65 : vector<1x69x128xf32> to vector<69x128xf32>
    %add3A_67 = arith.addf %add3A_55, %get3A_66 : vector<69x128xf32>
    %get3A_68 = arith.constant 6 : index
    %get3A_69 = arith.constant 0 : index
    %get3A_70 = arith.constant 0 : index
    %get3A_71 = vector.load %arg0[%get3A_68, %get3A_69, %get3A_70] : memref<32x69x128xf32, #tpu.memory_space<vmem>>, vector<1x69x128xf32>
    %get3A_72 = vector.shape_cast %get3A_71 : vector<1x69x128xf32> to vector<69x128xf32>
    %add3A_73 = arith.addf %add3A_61, %get3A_72 : vector<69x128xf32>
    %get3A_74 = arith.constant 22 : index
    %get3A_75 = arith.constant 0 : index
    %get3A_76 = arith.constant 0 : index
    %get3A_77 = vector.load %arg0[%get3A_74, %get3A_75, %get3A_76] : memref<32x69x128xf32, #tpu.memory_space<vmem>>, vector<1x69x128xf32>
    %get3A_78 = vector.shape_cast %get3A_77 : vector<1x69x128xf32> to vector<69x128xf32>
    %add3A_79 = arith.addf %add3A_67, %get3A_78 : vector<69x128xf32>
    %get3A_80 = arith.constant 7 : index
    %get3A_81 = arith.constant 0 : index
    %get3A_82 = arith.constant 0 : index
    %get3A_83 = vector.load %arg0[%get3A_80, %get3A_81, %get3A_82] : memref<32x69x128xf32, #tpu.memory_space<vmem>>, vector<1x69x128xf32>
    %get3A_84 = vector.shape_cast %get3A_83 : vector<1x69x128xf32> to vector<69x128xf32>
    %add3A_85 = arith.addf %add3A_73, %get3A_84 : vector<69x128xf32>
    %get3A_86 = arith.constant 23 : index
    %get3A_87 = arith.constant 0 : index
    %get3A_88 = arith.constant 0 : index
    %get3A_89 = vector.load %arg0[%get3A_86, %get3A_87, %get3A_88] : memref<32x69x128xf32, #tpu.memory_space<vmem>>, vector<1x69x128xf32>
    %get3A_90 = vector.shape_cast %get3A_89 : vector<1x69x128xf32> to vector<69x128xf32>
    %add3A_91 = arith.addf %add3A_79, %get3A_90 : vector<69x128xf32>
    %get3A_92 = arith.constant 8 : index
    %get3A_93 = arith.constant 0 : index
    %get3A_94 = arith.constant 0 : index
    %get3A_95 = vector.load %arg0[%get3A_92, %get3A_93, %get3A_94] : memref<32x69x128xf32, #tpu.memory_space<vmem>>, vector<1x69x128xf32>
    %get3A_96 = vector.shape_cast %get3A_95 : vector<1x69x128xf32> to vector<69x128xf32>
    %add3A_97 = arith.addf %add3A_85, %get3A_96 : vector<69x128xf32>
    %get3A_98 = arith.constant 24 : index
    %get3A_99 = arith.constant 0 : index
    %get3A_100 = arith.constant 0 : index
    %get3A_101 = vector.load %arg0[%get3A_98, %get3A_99, %get3A_100] : memref<32x69x128xf32, #tpu.memory_space<vmem>>, vector<1x69x128xf32>
    %get3A_102 = vector.shape_cast %get3A_101 : vector<1x69x128xf32> to vector<69x128xf32>
    %add3A_103 = arith.addf %add3A_91, %get3A_102 : vector<69x128xf32>
    %get3A_104 = arith.constant 9 : index
    %get3A_105 = arith.constant 0 : index
    %get3A_106 = arith.constant 0 : index
    %get3A_107 = vector.load %arg0[%get3A_104, %get3A_105, %get3A_106] : memref<32x69x128xf32, #tpu.memory_space<vmem>>, vector<1x69x128xf32>
    %get3A_108 = vector.shape_cast %get3A_107 : vector<1x69x128xf32> to vector<69x128xf32>
    %add3A_109 = arith.addf %add3A_97, %get3A_108 : vector<69x128xf32>
    %get3A_110 = arith.constant 25 : index
    %get3A_111 = arith.constant 0 : index
    %get3A_112 = arith.constant 0 : index
    %get3A_113 = vector.load %arg0[%get3A_110, %get3A_111, %get3A_112] : memref<32x69x128xf32, #tpu.memory_space<vmem>>, vector<1x69x128xf32>
    %get3A_114 = vector.shape_cast %get3A_113 : vector<1x69x128xf32> to vector<69x128xf32>
    %add3A_115 = arith.addf %add3A_103, %get3A_114 : vector<69x128xf32>
    %get3A_116 = arith.constant 10 : index
    %get3A_117 = arith.constant 0 : index
    %get3A_118 = arith.constant 0 : index
    %get3A_119 = vector.load %arg0[%get3A_116, %get3A_117, %get3A_118] : memref<32x69x128xf32, #tpu.memory_space<vmem>>, vector<1x69x128xf32>
    %get3A_120 = vector.shape_cast %get3A_119 : vector<1x69x128xf32> to vector<69x128xf32>
    %add3A_121 = arith.addf %add3A_109, %get3A_120 : vector<69x128xf32>
    %get3A_122 = arith.constant 26 : index
    %get3A_123 = arith.constant 0 : index
    %get3A_124 = arith.constant 0 : index
    %get3A_125 = vector.load %arg0[%get3A_122, %get3A_123, %get3A_124] : memref<32x69x128xf32, #tpu.memory_space<vmem>>, vector<1x69x128xf32>
    %get3A_126 = vector.shape_cast %get3A_125 : vector<1x69x128xf32> to vector<69x128xf32>
    %add3A_127 = arith.addf %add3A_115, %get3A_126 : vector<69x128xf32>
    %get3A_128 = arith.constant 11 : index
    %get3A_129 = arith.constant 0 : index
    %get3A_130 = arith.constant 0 : index
    %get3A_131 = vector.load %arg0[%get3A_128, %get3A_129, %get3A_130] : memref<32x69x128xf32, #tpu.memory_space<vmem>>, vector<1x69x128xf32>
    %get3A_132 = vector.shape_cast %get3A_131 : vector<1x69x128xf32> to vector<69x128xf32>
    %add3A_133 = arith.addf %add3A_121, %get3A_132 : vector<69x128xf32>
    %get3A_134 = arith.constant 27 : index
    %get3A_135 = arith.constant 0 : index
    %get3A_136 = arith.constant 0 : index
    %get3A_137 = vector.load %arg0[%get3A_134, %get3A_135, %get3A_136] : memref<32x69x128xf32, #tpu.memory_space<vmem>>, vector<1x69x128xf32>
    %get3A_138 = vector.shape_cast %get3A_137 : vector<1x69x128xf32> to vector<69x128xf32>
    %add3A_139 = arith.addf %add3A_127, %get3A_138 : vector<69x128xf32>
    %get3A_140 = arith.constant 12 : index
    %get3A_141 = arith.constant 0 : index
    %get3A_142 = arith.constant 0 : index
    %get3A_143 = vector.load %arg0[%get3A_140, %get3A_141, %get3A_142] : memref<32x69x128xf32, #tpu.memory_space<vmem>>, vector<1x69x128xf32>
    %get3A_144 = vector.shape_cast %get3A_143 : vector<1x69x128xf32> to vector<69x128xf32>
    %add3A_145 = arith.addf %add3A_133, %get3A_144 : vector<69x128xf32>
    %get3A_146 = arith.constant 28 : index
    %get3A_147 = arith.constant 0 : index
    %get3A_148 = arith.constant 0 : index
    %get3A_149 = vector.load %arg0[%get3A_146, %get3A_147, %get3A_148] : memref<32x69x128xf32, #tpu.memory_space<vmem>>, vector<1x69x128xf32>
    %get3A_150 = vector.shape_cast %get3A_149 : vector<1x69x128xf32> to vector<69x128xf32>
    %add3A_151 = arith.addf %add3A_139, %get3A_150 : vector<69x128xf32>
    %get3A_152 = arith.constant 13 : index
    %get3A_153 = arith.constant 0 : index
    %get3A_154 = arith.constant 0 : index
    %get3A_155 = vector.load %arg0[%get3A_152, %get3A_153, %get3A_154] : memref<32x69x128xf32, #tpu.memory_space<vmem>>, vector<1x69x128xf32>
    %get3A_156 = vector.shape_cast %get3A_155 : vector<1x69x128xf32> to vector<69x128xf32>
    %add3A_157 = arith.addf %add3A_145, %get3A_156 : vector<69x128xf32>
    %get3A_158 = arith.constant 29 : index
    %get3A_159 = arith.constant 0 : index
    %get3A_160 = arith.constant 0 : index
    %get3A_161 = vector.load %arg0[%get3A_158, %get3A_159, %get3A_160] : memref<32x69x128xf32, #tpu.memory_space<vmem>>, vector<1x69x128xf32>
    %get3A_162 = vector.shape_cast %get3A_161 : vector<1x69x128xf32> to vector<69x128xf32>
    %add3A_163 = arith.addf %add3A_151, %get3A_162 : vector<69x128xf32>
    %get3A_164 = arith.constant 14 : index
    %get3A_165 = arith.constant 0 : index
    %get3A_166 = arith.constant 0 : index
    %get3A_167 = vector.load %arg0[%get3A_164, %get3A_165, %get3A_166] : memref<32x69x128xf32, #tpu.memory_space<vmem>>, vector<1x69x128xf32>
    %get3A_168 = vector.shape_cast %get3A_167 : vector<1x69x128xf32> to vector<69x128xf32>
    %add3A_169 = arith.addf %add3A_157, %get3A_168 : vector<69x128xf32>
    %get3A_170 = arith.constant 30 : index
    %get3A_171 = arith.constant 0 : index
    %get3A_172 = arith.constant 0 : index
    %get3A_173 = vector.load %arg0[%get3A_170, %get3A_171, %get3A_172] : memref<32x69x128xf32, #tpu.memory_space<vmem>>, vector<1x69x128xf32>
    %get3A_174 = vector.shape_cast %get3A_173 : vector<1x69x128xf32> to vector<69x128xf32>
    %add3A_175 = arith.addf %add3A_163, %get3A_174 : vector<69x128xf32>
    %get3A_176 = arith.constant 15 : index
    %get3A_177 = arith.constant 0 : index
    %get3A_178 = arith.constant 0 : index
    %get3A_179 = vector.load %arg0[%get3A_176, %get3A_177, %get3A_178] : memref<32x69x128xf32, #tpu.memory_space<vmem>>, vector<1x69x128xf32>
    %get3A_180 = vector.shape_cast %get3A_179 : vector<1x69x128xf32> to vector<69x128xf32>
    %add3A_181 = arith.addf %add3A_169, %get3A_180 : vector<69x128xf32>
    %get3A_182 = arith.constant 31 : index
    %get3A_183 = arith.constant 0 : index
    %get3A_184 = arith.constant 0 : index
    %get3A_185 = vector.load %arg0[%get3A_182, %get3A_183, %get3A_184] : memref<32x69x128xf32, #tpu.memory_space<vmem>>, vector<1x69x128xf32>
    %get3A_186 = vector.shape_cast %get3A_185 : vector<1x69x128xf32> to vector<69x128xf32>
    %add3A_187 = arith.addf %add3A_175, %get3A_186 : vector<69x128xf32>
    %add3A_188 = arith.constant 9.99999996E-13 : f32
    %add3A_189 = vector.broadcast %add3A_188 : f32 to vector<69x128xf32>
    %add3A_190 = arith.addf %add3A_187, %add3A_189 : vector<69x128xf32>
    %div3A = arith.divf %add3A_181, %add3A_190 : vector<69x128xf32>
    %slice3A = vector.extract_strided_slice %div3A {offsets = [0, 0], sizes = [69, 1], strides = [1, 1]} : vector<69x128xf32> to vector<69x1xf32>
    %slice3A_191 = vector.extract_strided_slice %div3A {offsets = [0, 1], sizes = [69, 1], strides = [1, 1]} : vector<69x128xf32> to vector<69x1xf32>
    %add3A_192 = arith.addf %slice3A, %slice3A_191 : vector<69x1xf32>
    %slice3A_193 = vector.extract_strided_slice %div3A {offsets = [0, 2], sizes = [69, 1], strides = [1, 1]} : vector<69x128xf32> to vector<69x1xf32>
    %add3A_194 = arith.addf %add3A_192, %slice3A_193 : vector<69x1xf32>
    %slice3A_195 = vector.extract_strided_slice %div3A {offsets = [0, 3], sizes = [69, 1], strides = [1, 1]} : vector<69x128xf32> to vector<69x1xf32>
    %add3A_196 = arith.addf %add3A_194, %slice3A_195 : vector<69x1xf32>
    %slice3A_197 = vector.extract_strided_slice %div3A {offsets = [0, 4], sizes = [69, 1], strides = [1, 1]} : vector<69x128xf32> to vector<69x1xf32>
    %add3A_198 = arith.addf %add3A_196, %slice3A_197 : vector<69x1xf32>
    %slice3A_199 = vector.extract_strided_slice %div3A {offsets = [0, 5], sizes = [69, 1], strides = [1, 1]} : vector<69x128xf32> to vector<69x1xf32>
    %add3A_200 = arith.addf %add3A_198, %slice3A_199 : vector<69x1xf32>
    %slice3A_201 = vector.extract_strided_slice %div3A {offsets = [0, 6], sizes = [69, 1], strides = [1, 1]} : vector<69x128xf32> to vector<69x1xf32>
    %add3A_202 = arith.addf %add3A_200, %slice3A_201 : vector<69x1xf32>
    %slice3A_203 = vector.extract_strided_slice %div3A {offsets = [0, 7], sizes = [69, 1], strides = [1, 1]} : vector<69x128xf32> to vector<69x1xf32>
    %add3A_204 = arith.addf %add3A_202, %slice3A_203 : vector<69x1xf32>
    %slice3A_205 = vector.extract_strided_slice %div3A {offsets = [0, 8], sizes = [69, 1], strides = [1, 1]} : vector<69x128xf32> to vector<69x1xf32>
    %add3A_206 = arith.addf %add3A_204, %slice3A_205 : vector<69x1xf32>
    %slice3A_207 = vector.extract_strided_slice %div3A {offsets = [0, 9], sizes = [69, 1], strides = [1, 1]} : vector<69x128xf32> to vector<69x1xf32>
    %add3A_208 = arith.addf %add3A_206, %slice3A_207 : vector<69x1xf32>
    %slice3A_209 = vector.extract_strided_slice %div3A {offsets = [0, 10], sizes = [69, 1], strides = [1, 1]} : vector<69x128xf32> to vector<69x1xf32>
    %add3A_210 = arith.addf %add3A_208, %slice3A_209 : vector<69x1xf32>
    %slice3A_211 = vector.extract_strided_slice %div3A {offsets = [0, 11], sizes = [69, 1], strides = [1, 1]} : vector<69x128xf32> to vector<69x1xf32>
    %add3A_212 = arith.addf %add3A_210, %slice3A_211 : vector<69x1xf32>
    %slice3A_213 = vector.extract_strided_slice %div3A {offsets = [0, 12], sizes = [69, 1], strides = [1, 1]} : vector<69x128xf32> to vector<69x1xf32>
    %add3A_214 = arith.addf %add3A_212, %slice3A_213 : vector<69x1xf32>
    %slice3A_215 = vector.extract_strided_slice %div3A {offsets = [0, 13], sizes = [69, 1], strides = [1, 1]} : vector<69x128xf32> to vector<69x1xf32>
    %add3A_216 = arith.addf %add3A_214, %slice3A_215 : vector<69x1xf32>
    %slice3A_217 = vector.extract_strided_slice %div3A {offsets = [0, 14], sizes = [69, 1], strides = [1, 1]} : vector<69x128xf32> to vector<69x1xf32>
    %add3A_218 = arith.addf %add3A_216, %slice3A_217 : vector<69x1xf32>
    %slice3A_219 = vector.extract_strided_slice %div3A {offsets = [0, 15], sizes = [69, 1], strides = [1, 1]} : vector<69x128xf32> to vector<69x1xf32>
    %add3A_220 = arith.addf %add3A_218, %slice3A_219 : vector<69x1xf32>
    %slice3A_221 = vector.extract_strided_slice %div3A {offsets = [0, 16], sizes = [69, 1], strides = [1, 1]} : vector<69x128xf32> to vector<69x1xf32>
    %add3A_222 = arith.addf %add3A_220, %slice3A_221 : vector<69x1xf32>
    %slice3A_223 = vector.extract_strided_slice %div3A {offsets = [0, 17], sizes = [69, 1], strides = [1, 1]} : vector<69x128xf32> to vector<69x1xf32>
    %add3A_224 = arith.addf %add3A_222, %slice3A_223 : vector<69x1xf32>
    %slice3A_225 = vector.extract_strided_slice %div3A {offsets = [0, 18], sizes = [69, 1], strides = [1, 1]} : vector<69x128xf32> to vector<69x1xf32>
    %add3A_226 = arith.addf %add3A_224, %slice3A_225 : vector<69x1xf32>
    %slice3A_227 = vector.extract_strided_slice %div3A {offsets = [0, 19], sizes = [69, 1], strides = [1, 1]} : vector<69x128xf32> to vector<69x1xf32>
    %add3A_228 = arith.addf %add3A_226, %slice3A_227 : vector<69x1xf32>
    %slice3A_229 = vector.extract_strided_slice %div3A {offsets = [0, 20], sizes = [69, 1], strides = [1, 1]} : vector<69x128xf32> to vector<69x1xf32>
    %add3A_230 = arith.addf %add3A_228, %slice3A_229 : vector<69x1xf32>
    %slice3A_231 = vector.extract_strided_slice %div3A {offsets = [0, 21], sizes = [69, 1], strides = [1, 1]} : vector<69x128xf32> to vector<69x1xf32>
    %add3A_232 = arith.addf %add3A_230, %slice3A_231 : vector<69x1xf32>
    %slice3A_233 = vector.extract_strided_slice %div3A {offsets = [0, 22], sizes = [69, 1], strides = [1, 1]} : vector<69x128xf32> to vector<69x1xf32>
    %add3A_234 = arith.addf %add3A_232, %slice3A_233 : vector<69x1xf32>
    %slice3A_235 = vector.extract_strided_slice %div3A {offsets = [0, 23], sizes = [69, 1], strides = [1, 1]} : vector<69x128xf32> to vector<69x1xf32>
    %add3A_236 = arith.addf %add3A_234, %slice3A_235 : vector<69x1xf32>
    %slice3A_237 = vector.extract_strided_slice %div3A {offsets = [0, 24], sizes = [69, 1], strides = [1, 1]} : vector<69x128xf32> to vector<69x1xf32>
    %add3A_238 = arith.addf %add3A_236, %slice3A_237 : vector<69x1xf32>
    %slice3A_239 = vector.extract_strided_slice %div3A {offsets = [0, 25], sizes = [69, 1], strides = [1, 1]} : vector<69x128xf32> to vector<69x1xf32>
    %add3A_240 = arith.addf %add3A_238, %slice3A_239 : vector<69x1xf32>
    %slice3A_241 = vector.extract_strided_slice %div3A {offsets = [0, 26], sizes = [69, 1], strides = [1, 1]} : vector<69x128xf32> to vector<69x1xf32>
    %add3A_242 = arith.addf %add3A_240, %slice3A_241 : vector<69x1xf32>
    %slice3A_243 = vector.extract_strided_slice %div3A {offsets = [0, 27], sizes = [69, 1], strides = [1, 1]} : vector<69x128xf32> to vector<69x1xf32>
    %add3A_244 = arith.addf %add3A_242, %slice3A_243 : vector<69x1xf32>
    %slice3A_245 = vector.extract_strided_slice %div3A {offsets = [0, 28], sizes = [69, 1], strides = [1, 1]} : vector<69x128xf32> to vector<69x1xf32>
    %add3A_246 = arith.addf %add3A_244, %slice3A_245 : vector<69x1xf32>
    %slice3A_247 = vector.extract_strided_slice %div3A {offsets = [0, 29], sizes = [69, 1], strides = [1, 1]} : vector<69x128xf32> to vector<69x1xf32>
    %add3A_248 = arith.addf %add3A_246, %slice3A_247 : vector<69x1xf32>
    %slice3A_249 = vector.extract_strided_slice %div3A {offsets = [0, 30], sizes = [69, 1], strides = [1, 1]} : vector<69x128xf32> to vector<69x1xf32>
    %add3A_250 = arith.addf %add3A_248, %slice3A_249 : vector<69x1xf32>
    %slice3A_251 = vector.extract_strided_slice %div3A {offsets = [0, 31], sizes = [69, 1], strides = [1, 1]} : vector<69x128xf32> to vector<69x1xf32>
    %add3A_252 = arith.addf %add3A_250, %slice3A_251 : vector<69x1xf32>
    %slice3A_253 = vector.extract_strided_slice %div3A {offsets = [0, 32], sizes = [69, 1], strides = [1, 1]} : vector<69x128xf32> to vector<69x1xf32>
    %add3A_254 = arith.addf %add3A_252, %slice3A_253 : vector<69x1xf32>
    %slice3A_255 = vector.extract_strided_slice %div3A {offsets = [0, 33], sizes = [69, 1], strides = [1, 1]} : vector<69x128xf32> to vector<69x1xf32>
    %add3A_256 = arith.addf %add3A_254, %slice3A_255 : vector<69x1xf32>
    %slice3A_257 = vector.extract_strided_slice %div3A {offsets = [0, 34], sizes = [69, 1], strides = [1, 1]} : vector<69x128xf32> to vector<69x1xf32>
    %add3A_258 = arith.addf %add3A_256, %slice3A_257 : vector<69x1xf32>
    %slice3A_259 = vector.extract_strided_slice %div3A {offsets = [0, 35], sizes = [69, 1], strides = [1, 1]} : vector<69x128xf32> to vector<69x1xf32>
    %add3A_260 = arith.addf %add3A_258, %slice3A_259 : vector<69x1xf32>
    %slice3A_261 = vector.extract_strided_slice %div3A {offsets = [0, 36], sizes = [69, 1], strides = [1, 1]} : vector<69x128xf32> to vector<69x1xf32>
    %add3A_262 = arith.addf %add3A_260, %slice3A_261 : vector<69x1xf32>
    %slice3A_263 = vector.extract_strided_slice %div3A {offsets = [0, 37], sizes = [69, 1], strides = [1, 1]} : vector<69x128xf32> to vector<69x1xf32>
    %add3A_264 = arith.addf %add3A_262, %slice3A_263 : vector<69x1xf32>
    %slice3A_265 = vector.extract_strided_slice %div3A {offsets = [0, 38], sizes = [69, 1], strides = [1, 1]} : vector<69x128xf32> to vector<69x1xf32>
    %add3A_266 = arith.addf %add3A_264, %slice3A_265 : vector<69x1xf32>
    %slice3A_267 = vector.extract_strided_slice %div3A {offsets = [0, 39], sizes = [69, 1], strides = [1, 1]} : vector<69x128xf32> to vector<69x1xf32>
    %add3A_268 = arith.addf %add3A_266, %slice3A_267 : vector<69x1xf32>
    %slice3A_269 = vector.extract_strided_slice %div3A {offsets = [0, 40], sizes = [69, 1], strides = [1, 1]} : vector<69x128xf32> to vector<69x1xf32>
    %add3A_270 = arith.addf %add3A_268, %slice3A_269 : vector<69x1xf32>
    %slice3A_271 = vector.extract_strided_slice %div3A {offsets = [0, 41], sizes = [69, 1], strides = [1, 1]} : vector<69x128xf32> to vector<69x1xf32>
    %add3A_272 = arith.addf %add3A_270, %slice3A_271 : vector<69x1xf32>
    %slice3A_273 = vector.extract_strided_slice %div3A {offsets = [0, 42], sizes = [69, 1], strides = [1, 1]} : vector<69x128xf32> to vector<69x1xf32>
    %add3A_274 = arith.addf %add3A_272, %slice3A_273 : vector<69x1xf32>
    %slice3A_275 = vector.extract_strided_slice %div3A {offsets = [0, 43], sizes = [69, 1], strides = [1, 1]} : vector<69x128xf32> to vector<69x1xf32>
    %add3A_276 = arith.addf %add3A_274, %slice3A_275 : vector<69x1xf32>
    %slice3A_277 = vector.extract_strided_slice %div3A {offsets = [0, 44], sizes = [69, 1], strides = [1, 1]} : vector<69x128xf32> to vector<69x1xf32>
    %add3A_278 = arith.addf %add3A_276, %slice3A_277 : vector<69x1xf32>
    %slice3A_279 = vector.extract_strided_slice %div3A {offsets = [0, 45], sizes = [69, 1], strides = [1, 1]} : vector<69x128xf32> to vector<69x1xf32>
    %add3A_280 = arith.addf %add3A_278, %slice3A_279 : vector<69x1xf32>
    %slice3A_281 = vector.extract_strided_slice %div3A {offsets = [0, 46], sizes = [69, 1], strides = [1, 1]} : vector<69x128xf32> to vector<69x1xf32>
    %add3A_282 = arith.addf %add3A_280, %slice3A_281 : vector<69x1xf32>
    %slice3A_283 = vector.extract_strided_slice %div3A {offsets = [0, 47], sizes = [69, 1], strides = [1, 1]} : vector<69x128xf32> to vector<69x1xf32>
    %add3A_284 = arith.addf %add3A_282, %slice3A_283 : vector<69x1xf32>
    %slice3A_285 = vector.extract_strided_slice %div3A {offsets = [0, 48], sizes = [69, 1], strides = [1, 1]} : vector<69x128xf32> to vector<69x1xf32>
    %add3A_286 = arith.addf %add3A_284, %slice3A_285 : vector<69x1xf32>
    %slice3A_287 = vector.extract_strided_slice %div3A {offsets = [0, 49], sizes = [69, 1], strides = [1, 1]} : vector<69x128xf32> to vector<69x1xf32>
    %add3A_288 = arith.addf %add3A_286, %slice3A_287 : vector<69x1xf32>
    %slice3A_289 = vector.extract_strided_slice %div3A {offsets = [0, 50], sizes = [69, 1], strides = [1, 1]} : vector<69x128xf32> to vector<69x1xf32>
    %add3A_290 = arith.addf %add3A_288, %slice3A_289 : vector<69x1xf32>
    %slice3A_291 = vector.extract_strided_slice %div3A {offsets = [0, 51], sizes = [69, 1], strides = [1, 1]} : vector<69x128xf32> to vector<69x1xf32>
    %add3A_292 = arith.addf %add3A_290, %slice3A_291 : vector<69x1xf32>
    %slice3A_293 = vector.extract_strided_slice %div3A {offsets = [0, 52], sizes = [69, 1], strides = [1, 1]} : vector<69x128xf32> to vector<69x1xf32>
    %add3A_294 = arith.addf %add3A_292, %slice3A_293 : vector<69x1xf32>
    %slice3A_295 = vector.extract_strided_slice %div3A {offsets = [0, 53], sizes = [69, 1], strides = [1, 1]} : vector<69x128xf32> to vector<69x1xf32>
    %add3A_296 = arith.addf %add3A_294, %slice3A_295 : vector<69x1xf32>
    %slice3A_297 = vector.extract_strided_slice %div3A {offsets = [0, 54], sizes = [69, 1], strides = [1, 1]} : vector<69x128xf32> to vector<69x1xf32>
    %add3A_298 = arith.addf %add3A_296, %slice3A_297 : vector<69x1xf32>
    %slice3A_299 = vector.extract_strided_slice %div3A {offsets = [0, 55], sizes = [69, 1], strides = [1, 1]} : vector<69x128xf32> to vector<69x1xf32>
    %add3A_300 = arith.addf %add3A_298, %slice3A_299 : vector<69x1xf32>
    %slice3A_301 = vector.extract_strided_slice %div3A {offsets = [0, 56], sizes = [69, 1], strides = [1, 1]} : vector<69x128xf32> to vector<69x1xf32>
    %add3A_302 = arith.addf %add3A_300, %slice3A_301 : vector<69x1xf32>
    %slice3A_303 = vector.extract_strided_slice %div3A {offsets = [0, 57], sizes = [69, 1], strides = [1, 1]} : vector<69x128xf32> to vector<69x1xf32>
    %add3A_304 = arith.addf %add3A_302, %slice3A_303 : vector<69x1xf32>
    %slice3A_305 = vector.extract_strided_slice %div3A {offsets = [0, 58], sizes = [69, 1], strides = [1, 1]} : vector<69x128xf32> to vector<69x1xf32>
    %add3A_306 = arith.addf %add3A_304, %slice3A_305 : vector<69x1xf32>
    %slice3A_307 = vector.extract_strided_slice %div3A {offsets = [0, 59], sizes = [69, 1], strides = [1, 1]} : vector<69x128xf32> to vector<69x1xf32>
    %add3A_308 = arith.addf %add3A_306, %slice3A_307 : vector<69x1xf32>
    %slice3A_309 = vector.extract_strided_slice %div3A {offsets = [0, 60], sizes = [69, 1], strides = [1, 1]} : vector<69x128xf32> to vector<69x1xf32>
    %add3A_310 = arith.addf %add3A_308, %slice3A_309 : vector<69x1xf32>
    %slice3A_311 = vector.extract_strided_slice %div3A {offsets = [0, 61], sizes = [69, 1], strides = [1, 1]} : vector<69x128xf32> to vector<69x1xf32>
    %add3A_312 = arith.addf %add3A_310, %slice3A_311 : vector<69x1xf32>
    %slice3A_313 = vector.extract_strided_slice %div3A {offsets = [0, 62], sizes = [69, 1], strides = [1, 1]} : vector<69x128xf32> to vector<69x1xf32>
    %add3A_314 = arith.addf %add3A_312, %slice3A_313 : vector<69x1xf32>
    %slice3A_315 = vector.extract_strided_slice %div3A {offsets = [0, 63], sizes = [69, 1], strides = [1, 1]} : vector<69x128xf32> to vector<69x1xf32>
    %add3A_316 = arith.addf %add3A_314, %slice3A_315 : vector<69x1xf32>
    %slice3A_317 = vector.extract_strided_slice %div3A {offsets = [0, 64], sizes = [69, 1], strides = [1, 1]} : vector<69x128xf32> to vector<69x1xf32>
    %add3A_318 = arith.addf %add3A_316, %slice3A_317 : vector<69x1xf32>
    %slice3A_319 = vector.extract_strided_slice %div3A {offsets = [0, 65], sizes = [69, 1], strides = [1, 1]} : vector<69x128xf32> to vector<69x1xf32>
    %add3A_320 = arith.addf %add3A_318, %slice3A_319 : vector<69x1xf32>
    %slice3A_321 = vector.extract_strided_slice %div3A {offsets = [0, 66], sizes = [69, 1], strides = [1, 1]} : vector<69x128xf32> to vector<69x1xf32>
    %add3A_322 = arith.addf %add3A_320, %slice3A_321 : vector<69x1xf32>
    %slice3A_323 = vector.extract_strided_slice %div3A {offsets = [0, 67], sizes = [69, 1], strides = [1, 1]} : vector<69x128xf32> to vector<69x1xf32>
    %add3A_324 = arith.addf %add3A_322, %slice3A_323 : vector<69x1xf32>
    %slice3A_325 = vector.extract_strided_slice %div3A {offsets = [0, 68], sizes = [69, 1], strides = [1, 1]} : vector<69x128xf32> to vector<69x1xf32>
    %add3A_326 = arith.addf %add3A_324, %slice3A_325 : vector<69x1xf32>
    %slice3A_327 = vector.extract_strided_slice %div3A {offsets = [0, 69], sizes = [69, 1], strides = [1, 1]} : vector<69x128xf32> to vector<69x1xf32>
    %add3A_328 = arith.addf %add3A_326, %slice3A_327 : vector<69x1xf32>
    %slice3A_329 = vector.extract_strided_slice %div3A {offsets = [0, 70], sizes = [69, 1], strides = [1, 1]} : vector<69x128xf32> to vector<69x1xf32>
    %add3A_330 = arith.addf %add3A_328, %slice3A_329 : vector<69x1xf32>
    %slice3A_331 = vector.extract_strided_slice %div3A {offsets = [0, 71], sizes = [69, 1], strides = [1, 1]} : vector<69x128xf32> to vector<69x1xf32>
    %add3A_332 = arith.addf %add3A_330, %slice3A_331 : vector<69x1xf32>
    %slice3A_333 = vector.extract_strided_slice %div3A {offsets = [0, 72], sizes = [69, 1], strides = [1, 1]} : vector<69x128xf32> to vector<69x1xf32>
    %add3A_334 = arith.addf %add3A_332, %slice3A_333 : vector<69x1xf32>
    %slice3A_335 = vector.extract_strided_slice %div3A {offsets = [0, 73], sizes = [69, 1], strides = [1, 1]} : vector<69x128xf32> to vector<69x1xf32>
    %add3A_336 = arith.addf %add3A_334, %slice3A_335 : vector<69x1xf32>
    %slice3A_337 = vector.extract_strided_slice %div3A {offsets = [0, 74], sizes = [69, 1], strides = [1, 1]} : vector<69x128xf32> to vector<69x1xf32>
    %add3A_338 = arith.addf %add3A_336, %slice3A_337 : vector<69x1xf32>
    %slice3A_339 = vector.extract_strided_slice %div3A {offsets = [0, 75], sizes = [69, 1], strides = [1, 1]} : vector<69x128xf32> to vector<69x1xf32>
    %add3A_340 = arith.addf %add3A_338, %slice3A_339 : vector<69x1xf32>
    %slice3A_341 = vector.extract_strided_slice %div3A {offsets = [0, 76], sizes = [69, 1], strides = [1, 1]} : vector<69x128xf32> to vector<69x1xf32>
    %add3A_342 = arith.addf %add3A_340, %slice3A_341 : vector<69x1xf32>
    %slice3A_343 = vector.extract_strided_slice %div3A {offsets = [0, 77], sizes = [69, 1], strides = [1, 1]} : vector<69x128xf32> to vector<69x1xf32>
    %add3A_344 = arith.addf %add3A_342, %slice3A_343 : vector<69x1xf32>
    %slice3A_345 = vector.extract_strided_slice %div3A {offsets = [0, 78], sizes = [69, 1], strides = [1, 1]} : vector<69x128xf32> to vector<69x1xf32>
    %add3A_346 = arith.addf %add3A_344, %slice3A_345 : vector<69x1xf32>
    %slice3A_347 = vector.extract_strided_slice %div3A {offsets = [0, 79], sizes = [69, 1], strides = [1, 1]} : vector<69x128xf32> to vector<69x1xf32>
    %add3A_348 = arith.addf %add3A_346, %slice3A_347 : vector<69x1xf32>
    %slice3A_349 = vector.extract_strided_slice %div3A {offsets = [0, 80], sizes = [69, 1], strides = [1, 1]} : vector<69x128xf32> to vector<69x1xf32>
    %add3A_350 = arith.addf %add3A_348, %slice3A_349 : vector<69x1xf32>
    %slice3A_351 = vector.extract_strided_slice %div3A {offsets = [0, 81], sizes = [69, 1], strides = [1, 1]} : vector<69x128xf32> to vector<69x1xf32>
    %add3A_352 = arith.addf %add3A_350, %slice3A_351 : vector<69x1xf32>
    %slice3A_353 = vector.extract_strided_slice %div3A {offsets = [0, 82], sizes = [69, 1], strides = [1, 1]} : vector<69x128xf32> to vector<69x1xf32>
    %add3A_354 = arith.addf %add3A_352, %slice3A_353 : vector<69x1xf32>
    %slice3A_355 = vector.extract_strided_slice %div3A {offsets = [0, 83], sizes = [69, 1], strides = [1, 1]} : vector<69x128xf32> to vector<69x1xf32>
    %add3A_356 = arith.addf %add3A_354, %slice3A_355 : vector<69x1xf32>
    %slice3A_357 = vector.extract_strided_slice %div3A {offsets = [0, 84], sizes = [69, 1], strides = [1, 1]} : vector<69x128xf32> to vector<69x1xf32>
    %add3A_358 = arith.addf %add3A_356, %slice3A_357 : vector<69x1xf32>
    %slice3A_359 = vector.extract_strided_slice %div3A {offsets = [0, 85], sizes = [69, 1], strides = [1, 1]} : vector<69x128xf32> to vector<69x1xf32>
    %add3A_360 = arith.addf %add3A_358, %slice3A_359 : vector<69x1xf32>
    %slice3A_361 = vector.extract_strided_slice %div3A {offsets = [0, 86], sizes = [69, 1], strides = [1, 1]} : vector<69x128xf32> to vector<69x1xf32>
    %add3A_362 = arith.addf %add3A_360, %slice3A_361 : vector<69x1xf32>
    %slice3A_363 = vector.extract_strided_slice %div3A {offsets = [0, 87], sizes = [69, 1], strides = [1, 1]} : vector<69x128xf32> to vector<69x1xf32>
    %add3A_364 = arith.addf %add3A_362, %slice3A_363 : vector<69x1xf32>
    %slice3A_365 = vector.extract_strided_slice %div3A {offsets = [0, 88], sizes = [69, 1], strides = [1, 1]} : vector<69x128xf32> to vector<69x1xf32>
    %add3A_366 = arith.addf %add3A_364, %slice3A_365 : vector<69x1xf32>
    %slice3A_367 = vector.extract_strided_slice %div3A {offsets = [0, 89], sizes = [69, 1], strides = [1, 1]} : vector<69x128xf32> to vector<69x1xf32>
    %add3A_368 = arith.addf %add3A_366, %slice3A_367 : vector<69x1xf32>
    %slice3A_369 = vector.extract_strided_slice %div3A {offsets = [0, 90], sizes = [69, 1], strides = [1, 1]} : vector<69x128xf32> to vector<69x1xf32>
    %add3A_370 = arith.addf %add3A_368, %slice3A_369 : vector<69x1xf32>
    %slice3A_371 = vector.extract_strided_slice %div3A {offsets = [0, 91], sizes = [69, 1], strides = [1, 1]} : vector<69x128xf32> to vector<69x1xf32>
    %add3A_372 = arith.addf %add3A_370, %slice3A_371 : vector<69x1xf32>
    %slice3A_373 = vector.extract_strided_slice %div3A {offsets = [0, 92], sizes = [69, 1], strides = [1, 1]} : vector<69x128xf32> to vector<69x1xf32>
    %add3A_374 = arith.addf %add3A_372, %slice3A_373 : vector<69x1xf32>
    %slice3A_375 = vector.extract_strided_slice %div3A {offsets = [0, 93], sizes = [69, 1], strides = [1, 1]} : vector<69x128xf32> to vector<69x1xf32>
    %add3A_376 = arith.addf %add3A_374, %slice3A_375 : vector<69x1xf32>
    %slice3A_377 = vector.extract_strided_slice %div3A {offsets = [0, 94], sizes = [69, 1], strides = [1, 1]} : vector<69x128xf32> to vector<69x1xf32>
    %add3A_378 = arith.addf %add3A_376, %slice3A_377 : vector<69x1xf32>
    %slice3A_379 = vector.extract_strided_slice %div3A {offsets = [0, 95], sizes = [69, 1], strides = [1, 1]} : vector<69x128xf32> to vector<69x1xf32>
    %add3A_380 = arith.addf %add3A_378, %slice3A_379 : vector<69x1xf32>
    %slice3A_381 = vector.extract_strided_slice %div3A {offsets = [0, 96], sizes = [69, 1], strides = [1, 1]} : vector<69x128xf32> to vector<69x1xf32>
    %add3A_382 = arith.addf %add3A_380, %slice3A_381 : vector<69x1xf32>
    %slice3A_383 = vector.extract_strided_slice %div3A {offsets = [0, 97], sizes = [69, 1], strides = [1, 1]} : vector<69x128xf32> to vector<69x1xf32>
    %add3A_384 = arith.addf %add3A_382, %slice3A_383 : vector<69x1xf32>
    %slice3A_385 = vector.extract_strided_slice %div3A {offsets = [0, 98], sizes = [69, 1], strides = [1, 1]} : vector<69x128xf32> to vector<69x1xf32>
    %add3A_386 = arith.addf %add3A_384, %slice3A_385 : vector<69x1xf32>
    %slice3A_387 = vector.extract_strided_slice %div3A {offsets = [0, 99], sizes = [69, 1], strides = [1, 1]} : vector<69x128xf32> to vector<69x1xf32>
    %add3A_388 = arith.addf %add3A_386, %slice3A_387 : vector<69x1xf32>
    %slice3A_389 = vector.extract_strided_slice %div3A {offsets = [0, 100], sizes = [69, 1], strides = [1, 1]} : vector<69x128xf32> to vector<69x1xf32>
    %add3A_390 = arith.addf %add3A_388, %slice3A_389 : vector<69x1xf32>
    %slice3A_391 = vector.extract_strided_slice %div3A {offsets = [0, 101], sizes = [69, 1], strides = [1, 1]} : vector<69x128xf32> to vector<69x1xf32>
    %add3A_392 = arith.addf %add3A_390, %slice3A_391 : vector<69x1xf32>
    %slice3A_393 = vector.extract_strided_slice %div3A {offsets = [0, 102], sizes = [69, 1], strides = [1, 1]} : vector<69x128xf32> to vector<69x1xf32>
    %add3A_394 = arith.addf %add3A_392, %slice3A_393 : vector<69x1xf32>
    %slice3A_395 = vector.extract_strided_slice %div3A {offsets = [0, 103], sizes = [69, 1], strides = [1, 1]} : vector<69x128xf32> to vector<69x1xf32>
    %add3A_396 = arith.addf %add3A_394, %slice3A_395 : vector<69x1xf32>
    %slice3A_397 = vector.extract_strided_slice %div3A {offsets = [0, 104], sizes = [69, 1], strides = [1, 1]} : vector<69x128xf32> to vector<69x1xf32>
    %add3A_398 = arith.addf %add3A_396, %slice3A_397 : vector<69x1xf32>
    %slice3A_399 = vector.extract_strided_slice %div3A {offsets = [0, 105], sizes = [69, 1], strides = [1, 1]} : vector<69x128xf32> to vector<69x1xf32>
    %add3A_400 = arith.addf %add3A_398, %slice3A_399 : vector<69x1xf32>
    %slice3A_401 = vector.extract_strided_slice %div3A {offsets = [0, 106], sizes = [69, 1], strides = [1, 1]} : vector<69x128xf32> to vector<69x1xf32>
    %add3A_402 = arith.addf %add3A_400, %slice3A_401 : vector<69x1xf32>
    %slice3A_403 = vector.extract_strided_slice %div3A {offsets = [0, 107], sizes = [69, 1], strides = [1, 1]} : vector<69x128xf32> to vector<69x1xf32>
    %add3A_404 = arith.addf %add3A_402, %slice3A_403 : vector<69x1xf32>
    %slice3A_405 = vector.extract_strided_slice %div3A {offsets = [0, 108], sizes = [69, 1], strides = [1, 1]} : vector<69x128xf32> to vector<69x1xf32>
    %add3A_406 = arith.addf %add3A_404, %slice3A_405 : vector<69x1xf32>
    %slice3A_407 = vector.extract_strided_slice %div3A {offsets = [0, 109], sizes = [69, 1], strides = [1, 1]} : vector<69x128xf32> to vector<69x1xf32>
    %add3A_408 = arith.addf %add3A_406, %slice3A_407 : vector<69x1xf32>
    %slice3A_409 = vector.extract_strided_slice %div3A {offsets = [0, 110], sizes = [69, 1], strides = [1, 1]} : vector<69x128xf32> to vector<69x1xf32>
    %add3A_410 = arith.addf %add3A_408, %slice3A_409 : vector<69x1xf32>
    %slice3A_411 = vector.extract_strided_slice %div3A {offsets = [0, 111], sizes = [69, 1], strides = [1, 1]} : vector<69x128xf32> to vector<69x1xf32>
    %add3A_412 = arith.addf %add3A_410, %slice3A_411 : vector<69x1xf32>
    %slice3A_413 = vector.extract_strided_slice %div3A {offsets = [0, 112], sizes = [69, 1], strides = [1, 1]} : vector<69x128xf32> to vector<69x1xf32>
    %add3A_414 = arith.addf %add3A_412, %slice3A_413 : vector<69x1xf32>
    %slice3A_415 = vector.extract_strided_slice %div3A {offsets = [0, 113], sizes = [69, 1], strides = [1, 1]} : vector<69x128xf32> to vector<69x1xf32>
    %add3A_416 = arith.addf %add3A_414, %slice3A_415 : vector<69x1xf32>
    %slice3A_417 = vector.extract_strided_slice %div3A {offsets = [0, 114], sizes = [69, 1], strides = [1, 1]} : vector<69x128xf32> to vector<69x1xf32>
    %add3A_418 = arith.addf %add3A_416, %slice3A_417 : vector<69x1xf32>
    %slice3A_419 = vector.extract_strided_slice %div3A {offsets = [0, 115], sizes = [69, 1], strides = [1, 1]} : vector<69x128xf32> to vector<69x1xf32>
    %add3A_420 = arith.addf %add3A_418, %slice3A_419 : vector<69x1xf32>
    %slice3A_421 = vector.extract_strided_slice %div3A {offsets = [0, 116], sizes = [69, 1], strides = [1, 1]} : vector<69x128xf32> to vector<69x1xf32>
    %add3A_422 = arith.addf %add3A_420, %slice3A_421 : vector<69x1xf32>
    %slice3A_423 = vector.extract_strided_slice %div3A {offsets = [0, 117], sizes = [69, 1], strides = [1, 1]} : vector<69x128xf32> to vector<69x1xf32>
    %add3A_424 = arith.addf %add3A_422, %slice3A_423 : vector<69x1xf32>
    %slice3A_425 = vector.extract_strided_slice %div3A {offsets = [0, 118], sizes = [69, 1], strides = [1, 1]} : vector<69x128xf32> to vector<69x1xf32>
    %add3A_426 = arith.addf %add3A_424, %slice3A_425 : vector<69x1xf32>
    %slice3A_427 = vector.extract_strided_slice %div3A {offsets = [0, 119], sizes = [69, 1], strides = [1, 1]} : vector<69x128xf32> to vector<69x1xf32>
    %add3A_428 = arith.addf %add3A_426, %slice3A_427 : vector<69x1xf32>
    %slice3A_429 = vector.extract_strided_slice %div3A {offsets = [0, 120], sizes = [69, 1], strides = [1, 1]} : vector<69x128xf32> to vector<69x1xf32>
    %add3A_430 = arith.addf %add3A_428, %slice3A_429 : vector<69x1xf32>
    %slice3A_431 = vector.extract_strided_slice %div3A {offsets = [0, 121], sizes = [69, 1], strides = [1, 1]} : vector<69x128xf32> to vector<69x1xf32>
    %add3A_432 = arith.addf %add3A_430, %slice3A_431 : vector<69x1xf32>
    %slice3A_433 = vector.extract_strided_slice %div3A {offsets = [0, 122], sizes = [69, 1], strides = [1, 1]} : vector<69x128xf32> to vector<69x1xf32>
    %add3A_434 = arith.addf %add3A_432, %slice3A_433 : vector<69x1xf32>
    %slice3A_435 = vector.extract_strided_slice %div3A {offsets = [0, 123], sizes = [69, 1], strides = [1, 1]} : vector<69x128xf32> to vector<69x1xf32>
    %add3A_436 = arith.addf %add3A_434, %slice3A_435 : vector<69x1xf32>
    %slice3A_437 = vector.extract_strided_slice %div3A {offsets = [0, 124], sizes = [69, 1], strides = [1, 1]} : vector<69x128xf32> to vector<69x1xf32>
    %add3A_438 = arith.addf %add3A_436, %slice3A_437 : vector<69x1xf32>
    %slice3A_439 = vector.extract_strided_slice %div3A {offsets = [0, 125], sizes = [69, 1], strides = [1, 1]} : vector<69x128xf32> to vector<69x1xf32>
    %add3A_440 = arith.addf %add3A_438, %slice3A_439 : vector<69x1xf32>
    %slice3A_441 = vector.extract_strided_slice %div3A {offsets = [0, 126], sizes = [69, 1], strides = [1, 1]} : vector<69x128xf32> to vector<69x1xf32>
    %add3A_442 = arith.addf %add3A_440, %slice3A_441 : vector<69x1xf32>
    %slice3A_443 = vector.extract_strided_slice %div3A {offsets = [0, 127], sizes = [69, 1], strides = [1, 1]} : vector<69x128xf32> to vector<69x1xf32>
    %add3A_444 = arith.addf %add3A_442, %slice3A_443 : vector<69x1xf32>
    %slice3A_445 = vector.extract_strided_slice %add3A_444 {offsets = [0, 0], sizes = [1, 1], strides = [1, 1]} : vector<69x1xf32> to vector<1x1xf32>
    %slice3A_446 = vector.extract_strided_slice %add3A_444 {offsets = [1, 0], sizes = [1, 1], strides = [1, 1]} : vector<69x1xf32> to vector<1x1xf32>
    %add3A_447 = arith.addf %slice3A_445, %slice3A_446 : vector<1x1xf32>
    %slice3A_448 = vector.extract_strided_slice %add3A_444 {offsets = [2, 0], sizes = [1, 1], strides = [1, 1]} : vector<69x1xf32> to vector<1x1xf32>
    %add3A_449 = arith.addf %add3A_447, %slice3A_448 : vector<1x1xf32>
    %slice3A_450 = vector.extract_strided_slice %add3A_444 {offsets = [3, 0], sizes = [1, 1], strides = [1, 1]} : vector<69x1xf32> to vector<1x1xf32>
    %add3A_451 = arith.addf %add3A_449, %slice3A_450 : vector<1x1xf32>
    %slice3A_452 = vector.extract_strided_slice %add3A_444 {offsets = [4, 0], sizes = [1, 1], strides = [1, 1]} : vector<69x1xf32> to vector<1x1xf32>
    %add3A_453 = arith.addf %add3A_451, %slice3A_452 : vector<1x1xf32>
    %slice3A_454 = vector.extract_strided_slice %add3A_444 {offsets = [5, 0], sizes = [1, 1], strides = [1, 1]} : vector<69x1xf32> to vector<1x1xf32>
    %add3A_455 = arith.addf %add3A_453, %slice3A_454 : vector<1x1xf32>
    %slice3A_456 = vector.extract_strided_slice %add3A_444 {offsets = [6, 0], sizes = [1, 1], strides = [1, 1]} : vector<69x1xf32> to vector<1x1xf32>
    %add3A_457 = arith.addf %add3A_455, %slice3A_456 : vector<1x1xf32>
    %slice3A_458 = vector.extract_strided_slice %add3A_444 {offsets = [7, 0], sizes = [1, 1], strides = [1, 1]} : vector<69x1xf32> to vector<1x1xf32>
    %add3A_459 = arith.addf %add3A_457, %slice3A_458 : vector<1x1xf32>
    %slice3A_460 = vector.extract_strided_slice %add3A_444 {offsets = [8, 0], sizes = [1, 1], strides = [1, 1]} : vector<69x1xf32> to vector<1x1xf32>
    %add3A_461 = arith.addf %add3A_459, %slice3A_460 : vector<1x1xf32>
    %slice3A_462 = vector.extract_strided_slice %add3A_444 {offsets = [9, 0], sizes = [1, 1], strides = [1, 1]} : vector<69x1xf32> to vector<1x1xf32>
    %add3A_463 = arith.addf %add3A_461, %slice3A_462 : vector<1x1xf32>
    %slice3A_464 = vector.extract_strided_slice %add3A_444 {offsets = [10, 0], sizes = [1, 1], strides = [1, 1]} : vector<69x1xf32> to vector<1x1xf32>
    %add3A_465 = arith.addf %add3A_463, %slice3A_464 : vector<1x1xf32>
    %slice3A_466 = vector.extract_strided_slice %add3A_444 {offsets = [11, 0], sizes = [1, 1], strides = [1, 1]} : vector<69x1xf32> to vector<1x1xf32>
    %add3A_467 = arith.addf %add3A_465, %slice3A_466 : vector<1x1xf32>
    %slice3A_468 = vector.extract_strided_slice %add3A_444 {offsets = [12, 0], sizes = [1, 1], strides = [1, 1]} : vector<69x1xf32> to vector<1x1xf32>
    %add3A_469 = arith.addf %add3A_467, %slice3A_468 : vector<1x1xf32>
    %slice3A_470 = vector.extract_strided_slice %add3A_444 {offsets = [13, 0], sizes = [1, 1], strides = [1, 1]} : vector<69x1xf32> to vector<1x1xf32>
    %add3A_471 = arith.addf %add3A_469, %slice3A_470 : vector<1x1xf32>
    %slice3A_472 = vector.extract_strided_slice %add3A_444 {offsets = [14, 0], sizes = [1, 1], strides = [1, 1]} : vector<69x1xf32> to vector<1x1xf32>
    %add3A_473 = arith.addf %add3A_471, %slice3A_472 : vector<1x1xf32>
    %slice3A_474 = vector.extract_strided_slice %add3A_444 {offsets = [15, 0], sizes = [1, 1], strides = [1, 1]} : vector<69x1xf32> to vector<1x1xf32>
    %add3A_475 = arith.addf %add3A_473, %slice3A_474 : vector<1x1xf32>
    %slice3A_476 = vector.extract_strided_slice %add3A_444 {offsets = [16, 0], sizes = [1, 1], strides = [1, 1]} : vector<69x1xf32> to vector<1x1xf32>
    %add3A_477 = arith.addf %add3A_475, %slice3A_476 : vector<1x1xf32>
    %slice3A_478 = vector.extract_strided_slice %add3A_444 {offsets = [17, 0], sizes = [1, 1], strides = [1, 1]} : vector<69x1xf32> to vector<1x1xf32>
    %add3A_479 = arith.addf %add3A_477, %slice3A_478 : vector<1x1xf32>
    %slice3A_480 = vector.extract_strided_slice %add3A_444 {offsets = [18, 0], sizes = [1, 1], strides = [1, 1]} : vector<69x1xf32> to vector<1x1xf32>
    %add3A_481 = arith.addf %add3A_479, %slice3A_480 : vector<1x1xf32>
    %slice3A_482 = vector.extract_strided_slice %add3A_444 {offsets = [19, 0], sizes = [1, 1], strides = [1, 1]} : vector<69x1xf32> to vector<1x1xf32>
    %add3A_483 = arith.addf %add3A_481, %slice3A_482 : vector<1x1xf32>
    %slice3A_484 = vector.extract_strided_slice %add3A_444 {offsets = [20, 0], sizes = [1, 1], strides = [1, 1]} : vector<69x1xf32> to vector<1x1xf32>
    %add3A_485 = arith.addf %add3A_483, %slice3A_484 : vector<1x1xf32>
    %slice3A_486 = vector.extract_strided_slice %add3A_444 {offsets = [21, 0], sizes = [1, 1], strides = [1, 1]} : vector<69x1xf32> to vector<1x1xf32>
    %add3A_487 = arith.addf %add3A_485, %slice3A_486 : vector<1x1xf32>
    %slice3A_488 = vector.extract_strided_slice %add3A_444 {offsets = [22, 0], sizes = [1, 1], strides = [1, 1]} : vector<69x1xf32> to vector<1x1xf32>
    %add3A_489 = arith.addf %add3A_487, %slice3A_488 : vector<1x1xf32>
    %slice3A_490 = vector.extract_strided_slice %add3A_444 {offsets = [23, 0], sizes = [1, 1], strides = [1, 1]} : vector<69x1xf32> to vector<1x1xf32>
    %add3A_491 = arith.addf %add3A_489, %slice3A_490 : vector<1x1xf32>
    %slice3A_492 = vector.extract_strided_slice %add3A_444 {offsets = [24, 0], sizes = [1, 1], strides = [1, 1]} : vector<69x1xf32> to vector<1x1xf32>
    %add3A_493 = arith.addf %add3A_491, %slice3A_492 : vector<1x1xf32>
    %slice3A_494 = vector.extract_strided_slice %add3A_444 {offsets = [25, 0], sizes = [1, 1], strides = [1, 1]} : vector<69x1xf32> to vector<1x1xf32>
    %add3A_495 = arith.addf %add3A_493, %slice3A_494 : vector<1x1xf32>
    %slice3A_496 = vector.extract_strided_slice %add3A_444 {offsets = [26, 0], sizes = [1, 1], strides = [1, 1]} : vector<69x1xf32> to vector<1x1xf32>
    %add3A_497 = arith.addf %add3A_495, %slice3A_496 : vector<1x1xf32>
    %slice3A_498 = vector.extract_strided_slice %add3A_444 {offsets = [27, 0], sizes = [1, 1], strides = [1, 1]} : vector<69x1xf32> to vector<1x1xf32>
    %add3A_499 = arith.addf %add3A_497, %slice3A_498 : vector<1x1xf32>
    %slice3A_500 = vector.extract_strided_slice %add3A_444 {offsets = [28, 0], sizes = [1, 1], strides = [1, 1]} : vector<69x1xf32> to vector<1x1xf32>
    %add3A_501 = arith.addf %add3A_499, %slice3A_500 : vector<1x1xf32>
    %slice3A_502 = vector.extract_strided_slice %add3A_444 {offsets = [29, 0], sizes = [1, 1], strides = [1, 1]} : vector<69x1xf32> to vector<1x1xf32>
    %add3A_503 = arith.addf %add3A_501, %slice3A_502 : vector<1x1xf32>
    %slice3A_504 = vector.extract_strided_slice %add3A_444 {offsets = [30, 0], sizes = [1, 1], strides = [1, 1]} : vector<69x1xf32> to vector<1x1xf32>
    %add3A_505 = arith.addf %add3A_503, %slice3A_504 : vector<1x1xf32>
    %slice3A_506 = vector.extract_strided_slice %add3A_444 {offsets = [31, 0], sizes = [1, 1], strides = [1, 1]} : vector<69x1xf32> to vector<1x1xf32>
    %add3A_507 = arith.addf %add3A_505, %slice3A_506 : vector<1x1xf32>
    %slice3A_508 = vector.extract_strided_slice %add3A_444 {offsets = [32, 0], sizes = [1, 1], strides = [1, 1]} : vector<69x1xf32> to vector<1x1xf32>
    %add3A_509 = arith.addf %add3A_507, %slice3A_508 : vector<1x1xf32>
    %slice3A_510 = vector.extract_strided_slice %add3A_444 {offsets = [33, 0], sizes = [1, 1], strides = [1, 1]} : vector<69x1xf32> to vector<1x1xf32>
    %add3A_511 = arith.addf %add3A_509, %slice3A_510 : vector<1x1xf32>
    %slice3A_512 = vector.extract_strided_slice %add3A_444 {offsets = [34, 0], sizes = [1, 1], strides = [1, 1]} : vector<69x1xf32> to vector<1x1xf32>
    %add3A_513 = arith.addf %add3A_511, %slice3A_512 : vector<1x1xf32>
    %slice3A_514 = vector.extract_strided_slice %add3A_444 {offsets = [35, 0], sizes = [1, 1], strides = [1, 1]} : vector<69x1xf32> to vector<1x1xf32>
    %add3A_515 = arith.addf %add3A_513, %slice3A_514 : vector<1x1xf32>
    %slice3A_516 = vector.extract_strided_slice %add3A_444 {offsets = [36, 0], sizes = [1, 1], strides = [1, 1]} : vector<69x1xf32> to vector<1x1xf32>
    %add3A_517 = arith.addf %add3A_515, %slice3A_516 : vector<1x1xf32>
    %slice3A_518 = vector.extract_strided_slice %add3A_444 {offsets = [37, 0], sizes = [1, 1], strides = [1, 1]} : vector<69x1xf32> to vector<1x1xf32>
    %add3A_519 = arith.addf %add3A_517, %slice3A_518 : vector<1x1xf32>
    %slice3A_520 = vector.extract_strided_slice %add3A_444 {offsets = [38, 0], sizes = [1, 1], strides = [1, 1]} : vector<69x1xf32> to vector<1x1xf32>
    %add3A_521 = arith.addf %add3A_519, %slice3A_520 : vector<1x1xf32>
    %slice3A_522 = vector.extract_strided_slice %add3A_444 {offsets = [39, 0], sizes = [1, 1], strides = [1, 1]} : vector<69x1xf32> to vector<1x1xf32>
    %add3A_523 = arith.addf %add3A_521, %slice3A_522 : vector<1x1xf32>
    %slice3A_524 = vector.extract_strided_slice %add3A_444 {offsets = [40, 0], sizes = [1, 1], strides = [1, 1]} : vector<69x1xf32> to vector<1x1xf32>
    %add3A_525 = arith.addf %add3A_523, %slice3A_524 : vector<1x1xf32>
    %slice3A_526 = vector.extract_strided_slice %add3A_444 {offsets = [41, 0], sizes = [1, 1], strides = [1, 1]} : vector<69x1xf32> to vector<1x1xf32>
    %add3A_527 = arith.addf %add3A_525, %slice3A_526 : vector<1x1xf32>
    %slice3A_528 = vector.extract_strided_slice %add3A_444 {offsets = [42, 0], sizes = [1, 1], strides = [1, 1]} : vector<69x1xf32> to vector<1x1xf32>
    %add3A_529 = arith.addf %add3A_527, %slice3A_528 : vector<1x1xf32>
    %slice3A_530 = vector.extract_strided_slice %add3A_444 {offsets = [43, 0], sizes = [1, 1], strides = [1, 1]} : vector<69x1xf32> to vector<1x1xf32>
    %add3A_531 = arith.addf %add3A_529, %slice3A_530 : vector<1x1xf32>
    %slice3A_532 = vector.extract_strided_slice %add3A_444 {offsets = [44, 0], sizes = [1, 1], strides = [1, 1]} : vector<69x1xf32> to vector<1x1xf32>
    %add3A_533 = arith.addf %add3A_531, %slice3A_532 : vector<1x1xf32>
    %slice3A_534 = vector.extract_strided_slice %add3A_444 {offsets = [45, 0], sizes = [1, 1], strides = [1, 1]} : vector<69x1xf32> to vector<1x1xf32>
    %add3A_535 = arith.addf %add3A_533, %slice3A_534 : vector<1x1xf32>
    %slice3A_536 = vector.extract_strided_slice %add3A_444 {offsets = [46, 0], sizes = [1, 1], strides = [1, 1]} : vector<69x1xf32> to vector<1x1xf32>
    %add3A_537 = arith.addf %add3A_535, %slice3A_536 : vector<1x1xf32>
    %slice3A_538 = vector.extract_strided_slice %add3A_444 {offsets = [47, 0], sizes = [1, 1], strides = [1, 1]} : vector<69x1xf32> to vector<1x1xf32>
    %add3A_539 = arith.addf %add3A_537, %slice3A_538 : vector<1x1xf32>
    %slice3A_540 = vector.extract_strided_slice %add3A_444 {offsets = [48, 0], sizes = [1, 1], strides = [1, 1]} : vector<69x1xf32> to vector<1x1xf32>
    %add3A_541 = arith.addf %add3A_539, %slice3A_540 : vector<1x1xf32>
    %slice3A_542 = vector.extract_strided_slice %add3A_444 {offsets = [49, 0], sizes = [1, 1], strides = [1, 1]} : vector<69x1xf32> to vector<1x1xf32>
    %add3A_543 = arith.addf %add3A_541, %slice3A_542 : vector<1x1xf32>
    %slice3A_544 = vector.extract_strided_slice %add3A_444 {offsets = [50, 0], sizes = [1, 1], strides = [1, 1]} : vector<69x1xf32> to vector<1x1xf32>
    %add3A_545 = arith.addf %add3A_543, %slice3A_544 : vector<1x1xf32>
    %slice3A_546 = vector.extract_strided_slice %add3A_444 {offsets = [51, 0], sizes = [1, 1], strides = [1, 1]} : vector<69x1xf32> to vector<1x1xf32>
    %add3A_547 = arith.addf %add3A_545, %slice3A_546 : vector<1x1xf32>
    %slice3A_548 = vector.extract_strided_slice %add3A_444 {offsets = [52, 0], sizes = [1, 1], strides = [1, 1]} : vector<69x1xf32> to vector<1x1xf32>
    %add3A_549 = arith.addf %add3A_547, %slice3A_548 : vector<1x1xf32>
    %slice3A_550 = vector.extract_strided_slice %add3A_444 {offsets = [53, 0], sizes = [1, 1], strides = [1, 1]} : vector<69x1xf32> to vector<1x1xf32>
    %add3A_551 = arith.addf %add3A_549, %slice3A_550 : vector<1x1xf32>
    %slice3A_552 = vector.extract_strided_slice %add3A_444 {offsets = [54, 0], sizes = [1, 1], strides = [1, 1]} : vector<69x1xf32> to vector<1x1xf32>
    %add3A_553 = arith.addf %add3A_551, %slice3A_552 : vector<1x1xf32>
    %slice3A_554 = vector.extract_strided_slice %add3A_444 {offsets = [55, 0], sizes = [1, 1], strides = [1, 1]} : vector<69x1xf32> to vector<1x1xf32>
    %add3A_555 = arith.addf %add3A_553, %slice3A_554 : vector<1x1xf32>
    %slice3A_556 = vector.extract_strided_slice %add3A_444 {offsets = [56, 0], sizes = [1, 1], strides = [1, 1]} : vector<69x1xf32> to vector<1x1xf32>
    %add3A_557 = arith.addf %add3A_555, %slice3A_556 : vector<1x1xf32>
    %slice3A_558 = vector.extract_strided_slice %add3A_444 {offsets = [57, 0], sizes = [1, 1], strides = [1, 1]} : vector<69x1xf32> to vector<1x1xf32>
    %add3A_559 = arith.addf %add3A_557, %slice3A_558 : vector<1x1xf32>
    %slice3A_560 = vector.extract_strided_slice %add3A_444 {offsets = [58, 0], sizes = [1, 1], strides = [1, 1]} : vector<69x1xf32> to vector<1x1xf32>
    %add3A_561 = arith.addf %add3A_559, %slice3A_560 : vector<1x1xf32>
    %slice3A_562 = vector.extract_strided_slice %add3A_444 {offsets = [59, 0], sizes = [1, 1], strides = [1, 1]} : vector<69x1xf32> to vector<1x1xf32>
    %add3A_563 = arith.addf %add3A_561, %slice3A_562 : vector<1x1xf32>
    %slice3A_564 = vector.extract_strided_slice %add3A_444 {offsets = [60, 0], sizes = [1, 1], strides = [1, 1]} : vector<69x1xf32> to vector<1x1xf32>
    %add3A_565 = arith.addf %add3A_563, %slice3A_564 : vector<1x1xf32>
    %slice3A_566 = vector.extract_strided_slice %add3A_444 {offsets = [61, 0], sizes = [1, 1], strides = [1, 1]} : vector<69x1xf32> to vector<1x1xf32>
    %add3A_567 = arith.addf %add3A_565, %slice3A_566 : vector<1x1xf32>
    %slice3A_568 = vector.extract_strided_slice %add3A_444 {offsets = [62, 0], sizes = [1, 1], strides = [1, 1]} : vector<69x1xf32> to vector<1x1xf32>
    %add3A_569 = arith.addf %add3A_567, %slice3A_568 : vector<1x1xf32>
    %slice3A_570 = vector.extract_strided_slice %add3A_444 {offsets = [63, 0], sizes = [1, 1], strides = [1, 1]} : vector<69x1xf32> to vector<1x1xf32>
    %add3A_571 = arith.addf %add3A_569, %slice3A_570 : vector<1x1xf32>
    %slice3A_572 = vector.extract_strided_slice %add3A_444 {offsets = [64, 0], sizes = [1, 1], strides = [1, 1]} : vector<69x1xf32> to vector<1x1xf32>
    %add3A_573 = arith.addf %add3A_571, %slice3A_572 : vector<1x1xf32>
    %slice3A_574 = vector.extract_strided_slice %add3A_444 {offsets = [65, 0], sizes = [1, 1], strides = [1, 1]} : vector<69x1xf32> to vector<1x1xf32>
    %add3A_575 = arith.addf %add3A_573, %slice3A_574 : vector<1x1xf32>
    %slice3A_576 = vector.extract_strided_slice %add3A_444 {offsets = [66, 0], sizes = [1, 1], strides = [1, 1]} : vector<69x1xf32> to vector<1x1xf32>
    %add3A_577 = arith.addf %add3A_575, %slice3A_576 : vector<1x1xf32>
    %slice3A_578 = vector.extract_strided_slice %add3A_444 {offsets = [67, 0], sizes = [1, 1], strides = [1, 1]} : vector<69x1xf32> to vector<1x1xf32>
    %add3A_579 = arith.addf %add3A_577, %slice3A_578 : vector<1x1xf32>
    %slice3A_580 = vector.extract_strided_slice %add3A_294 {offsets = [68, 0], sizes = [1, 1], strides = [1, 1]} : vector<69x1xf32> to vector<1x1xf32>
    %add3A_581 = arith.addf %slice3A_580, %add3A_579 : vector<1x1xf32>
    %slice3A_582 = vector.extract_strided_slice %add3A_300 {offsets = [68, 0], sizes = [1, 1], strides = [1, 1]} : vector<69x1xf32> to vector<1x1xf32>
    %add3A_583 = arith.addf %slice3A_582, %add3A_579 : vector<1x1xf32>
    %sub3A = arith.subf %add3A_583, %add3A_581 : vector<1x1xf32>
    %div3A_584 = arith.constant 3.000000e+00 : f32
    %div3A_585 = vector.broadcast %div3A_584 : f32 to vector<1x1xf32>
    %div3A_586 = arith.divf %sub3A, %div3A_585 : vector<1x1xf32>
    %get3A_587 = arith.constant 0 : index
    %get3A_588 = arith.constant 0 : index
    %get3A_589 = vector.load %arg1[%get3A_587, %get3A_588] : memref<128x128xf32, #tpu.memory_space<vmem>>, vector<128x128xf32>
    %lt3A = vector.broadcast %div3A_586 : vector<1x1xf32> to vector<128x128xf32>
    %lt3A_590 = arith.cmpf olt, %get3A_589, %lt3A : vector<128x128xf32>
    %jit3A = arith.constant 1.000000e+00 : f32
    %jit3A_591 = arith.constant 0.000000e+00 : f32
    %broadcast_in_dim3A = vector.broadcast %jit3A : f32 to vector<128x128xf32>
    %broadcast_in_dim3A_592 = vector.broadcast %jit3A_591 : f32 to vector<128x128xf32>
    %select_n3A = arith.select %lt3A_590, %broadcast_in_dim3A, %broadcast_in_dim3A_592 : vector<128x128xi1>, vector<128x128xf32>
    %gt3A = vector.broadcast %div3A_586 : vector<1x1xf32> to vector<128x128xf32>
    %gt3A_593 = arith.cmpf ogt, %get3A_589, %gt3A : vector<128x128xf32>
    %jit3A_594 = arith.constant 1.000000e+00 : f32
    %jit3A_595 = arith.constant 0.000000e+00 : f32
    %broadcast_in_dim3A_596 = vector.broadcast %jit3A_594 : f32 to vector<128x128xf32>
    %broadcast_in_dim3A_597 = vector.broadcast %jit3A_595 : f32 to vector<128x128xf32>
    %select_n3A_598 = arith.select %gt3A_593, %broadcast_in_dim3A_596, %broadcast_in_dim3A_597 : vector<128x128xi1>, vector<128x128xf32>
    %sub3A_599 = arith.subf %select_n3A, %select_n3A_598 : vector<128x128xf32>
    %swap3A = arith.constant 0 : index
    %swap3A_600 = arith.constant 0 : index
    %swap3A_601 = vector.load %arg2[%swap3A, %swap3A_600] : memref<128x128xf32, #tpu.memory_space<vmem>>, vector<128x128xf32>
    tpu.vector_store %arg2[%swap3A, %swap3A_600], %sub3A_599 {strides = array<i32>} : memref<128x128xf32, #tpu.memory_space<vmem>>, vector<128x128xf32>,
    return
  }
}

</mosaic_0001>

<sc_bundles>
// kernel: kernel.4.cloned.1.call-start
scs
__scs_entry_jumppad:
0x0: {  	(pc) =	sbr.rel $0x88, $3  }
0x1: {  	(tag) =	ssettag $0x0;
	lr =	simm.s32 $0x1  }
0x2: {  	[smem:$0x3F9D] =	sst lr;
	_ =	strace $0xD0000000  }
0x3: {  	_ = 	snop  }
0x4: {  	_ = 	snop  }
0x5: {  	_ = 	snop  }
0x6: {  	_ = 	snop  }
0x7: {  	_ = 	snop  }
__scs_overlays_trampoline_lowered:
0x8: {  	[smem:$0x3FAC] =	sst s0  }
0x9: {  	[smem:$0x3FAD] =	sst s1  }
0xa: {  	[smem:$0x3FAE] =	sst s2  }
0xb: {  	[smem:$0x3FAF] =	sst s3  }
0xc: {  	[smem:$0x3FB0] =	sst s4  }
0xd: {  	[smem:$0x3FB1] =	sst s5  }
0xe: {  	[smem:$0x3FB2] =	sst s6  }
0xf: {  	[smem:$0x3FB3] =	sst s7  }
0x10: {  	[smem:$0x3FB4] =	sst s8  }
0x11: {  	[smem:$0x3FB5] =	sst s9;
	s0 =	simm.s32 @!p0 $0x0  }
0x12: {  	s1 =	sld [smem:$0x3F9B];
	s0 =	simm.s32 @p0 $0x1  }
0x13: {  	[smem:$0x3FB6] =	sst s0;
	s0 =	simm.s32 @!p1 $0x0  }
0x14: {  	s2 =	sld [smem:$0x3F9A];
	s0 =	simm.s32 @p1 $0x1  }
0x15: {  	[smem:$0x3FB7] =	sst s0;
	s0 =	simm.s32 @!p2 $0x0  }
0x16: {  	s3 =	sld [smem:$0x3FDB];
	s0 =	simm.s32 @p2 $0x1  }
0x17: {  	s4 =	simm.s32 $0x1BF5;
	[smem:$0x3FB9] =	sst s0  }
0x18: {  	s0 =	sld [smem:$0x3F9C];
	_ =	swait.ge [sflag:s4], $0x0  }
0x19: {  	s7 =	sld [smem:$0x3F9D]  }
0x1a: {  	s8 =	sadd.s32 $0xFFFFE003, lr  }
0x1b: {  	s9 =	sadd.s32 $0xFFFFFEF7, lr;
	s5 =	simm.s32 $0xFFFFFFFF;
	p2 =	slt.u32 s8, $0xFFFFF086  }
0x1c: {  	p1 =	slt.u32 s9, $0xF7A;
	s5 =	simm.s32 @!p2 $0x0  }
0x1d: {  	s5 =	simm.s32 @p1 $0x1;
	p0 =	seq.s32 s7, s2  }
0x1e: {  	s7 =	smul.u32 @!p0 $0xF7A, s2;
	p2 =	seq.s32 @!p0 s5, $0x0  }
0x1f: {  	s9 =	smul.u32 $0xF7A, s1;
	s8 =	simm.s32 @!p0 $0x1BF5;
	p2 =	por !p2, p0  }
0x20: {  	[sflag:s8] =	ssyncset.s32 @!p0 $0xFFFFF086;
	s6 =	sadd.s32 @!p0 s3, s7;
	s7 =	simm.s32 @!p0 $0x108  }
0x21: {  	s3 =	sadd.s32 s3, s9;
	s6 =	sadd.s32 @!p0 $0x88, s6;
	s7 =	simm.s32 @p2 $0x1082  }
0x22: {  	[simem:s7], [sflag:s8] =	dma.local @!p0 [hbm:s6], $0xF7A  }
0x23: {  	s9 =	sor.u32 $0xD0000000, s2;
	s6 =	simm.s32 $0x108;
	_ =	swait.ge @!p0 [sflag:s8], $0x0  }
0x24: {  	s3 =	sadd.s32 $0x88, s3;
	s6 =	simm.s32 @!p1 $0x1082;
	[sflag:s4] =	ssyncset.s32 $0xFFFFF086  }
0x25: {  	[simem:s6], [sflag:s4] =	dma.local [hbm:s3], $0xF7A  }
0x26: {  	[smem:$0x3F9D] =	sst s1;
	(tag) =	ssettag s2;
	_ =	strace s9  }
0x27: {  	s1 =	sld [smem:$0x3FAD]  }
0x28: {  	s2 =	sld [smem:$0x3FAE]  }
0x29: {  	s4 =	sld [smem:$0x3FB0]  }
0x2a: {  	p0 =	seq.s32 s5, $0x0;
	s5 =	sld [smem:$0x3FB1]  }
0x2b: {  	s6 =	sld [smem:$0x3FB2]  }
0x2c: {  	s7 =	sld [smem:$0x3FB3]  }
0x2d: {  	s3 =	simm.s32 $0x108;
	s8 =	sld [smem:$0x3FB4]  }
0x2e: {  	s3 =	simm.s32 @!p0 $0x1082;
	s9 =	sld [smem:$0x3FB5]  }
0x2f: {  	lr =	sadd.s32 s0, s3;
	s0 =	sld [smem:$0x3FAC]  }
0x30: {  	s3 =	sld [smem:$0x3FAF]  }
0x31: {  	[smem:$0x3FB8] =	sst s10  }
0x32: {  	s10 =	sld [smem:$0x3FB6];
	_ =	sdelay $0x3  }
0x33: {  	p0 =	seq.s32 s10, $0x1;
	s10 =	sld [smem:$0x3FB8];
	_ =	sdelay $0x3  }
0x34: {  	[smem:$0x3FB8] =	sst s10  }
0x35: {  	s10 =	sld [smem:$0x3FB7];
	_ =	sdelay $0x3  }
0x36: {  	p1 =	seq.s32 s10, $0x1;
	s10 =	sld [smem:$0x3FB8];
	_ =	sdelay $0x3  }
0x37: {  	[smem:$0x3FB8] =	sst s10  }
0x38: {  	s10 =	sld [smem:$0x3FB9]  }
0x39: {  	_ = 	snop;
	(pc) =	sbr.ind lr, $3  }
0x3a: {  	_ = 	snop  }
0x3b: {  	_ = 	snop  }
0x3c: {  	p2 =	seq.s32 s10, $0x1;
	s10 =	sld [smem:$0x3FB8]  }
0x3d: {  	_ =	shalt  }
0x3e: {  	_ =	shalt  }
0x3f: {  	_ =	shalt  }
0x40: {  	_ =	shalt  }
0x41: {  	_ =	shalt  }
0x42: {  	_ =	shalt  }
0x43: {  	_ =	shalt  }
0x44: {  	_ =	shalt  }
0x45: {  	_ =	shalt  }
0x46: {  	_ =	shalt  }
0x47: {  	_ =	shalt  }
0x48: {  	_ =	shalt  }
0x49: {  	_ =	shalt  }
0x4a: {  	_ =	shalt  }
0x4b: {  	_ =	shalt  }
0x4c: {  	_ =	shalt  }
0x4d: {  	_ =	shalt  }
0x4e: {  	_ =	shalt  }
0x4f: {  	_ =	shalt  }
0x50: {  	_ =	shalt  }
0x51: {  	_ =	shalt  }
0x52: {  	_ =	shalt  }
0x53: {  	_ =	shalt  }
0x54: {  	_ =	shalt  }
0x55: {  	_ =	shalt  }
0x56: {  	_ =	shalt  }
0x57: {  	_ =	shalt  }
0x58: {  	_ =	shalt  }
0x59: {  	_ =	shalt  }
0x5a: {  	_ =	shalt  }
0x5b: {  	_ =	shalt  }
0x5c: {  	_ =	shalt  }
0x5d: {  	_ =	shalt  }
0x5e: {  	_ =	shalt  }
0x5f: {  	_ =	shalt  }
0x60: {  	_ =	shalt  }
0x61: {  	_ =	shalt  }
0x62: {  	_ =	shalt  }
0x63: {  	_ =	shalt  }
0x64: {  	_ =	shalt  }
0x65: {  	_ =	shalt  }
0x66: {  	_ =	shalt  }
0x67: {  	_ =	shalt  }
0x68: {  	_ =	shalt  }
0x69: {  	_ =	shalt  }
0x6a: {  	_ =	shalt  }
0x6b: {  	_ =	shalt  }
0x6c: {  	_ =	shalt  }
0x6d: {  	_ =	shalt  }
0x6e: {  	_ =	shalt  }
0x6f: {  	_ =	shalt  }
0x70: {  	_ =	shalt  }
0x71: {  	_ =	shalt  }
0x72: {  	_ =	shalt  }
0x73: {  	_ =	shalt  }
0x74: {  	_ =	shalt  }
0x75: {  	_ =	shalt  }
0x76: {  	_ =	shalt  }
0x77: {  	_ =	shalt  }
0x78: {  	_ =	shalt  }
0x79: {  	_ =	shalt  }
0x7a: {  	_ =	shalt  }
0x7b: {  	_ =	shalt  }
0x7c: {  	_ =	shalt  }
0x7d: {  	_ =	shalt  }
0x7e: {  	_ =	shalt  }
0x7f: {  	_ =	shalt  }
0x80: {  	_ =	shalt  }
0x81: {  	_ =	shalt  }
0x82: {  	_ =	shalt  }
0x83: {  	_ =	shalt  }
0x84: {  	_ =	shalt  }
0x85: {  	_ =	shalt  }
0x86: {  	_ =	shalt  }
0x87: {  	_ =	shalt  }
.Lfunc_end0:
.L_simem_size_0:
called_computation_lowered:
.L_overlay_start_0:
0x88: {  	s2 =	sld [smem:$0x3FD9]  }
0x89: {  	s3 =	sld [smem:$0x3FFE];
	_ =	sdelay $0x1  }
0x8a: {  	s1 =	srdreg.scid  }
0x8b: {  	s0 =	sand.u32 $0x1, s1  }
0x8c: {  	s17 =	sshll.u32 s0, $0xA;
	s2 =	sadd.s32 s3, s2  }
0x8d: {  	s2 =	sadd.s32 s2, s17  }
0x8e: {  	[smem:$0x3FC4] =	sst s2  }
0x8f: {  	_ = 	snop  }
0x90: {  	s2 =	sld [smem:$0x3FC9]  }
0x91: {  	s18 =	sld [smem:$0x3FC8]  }
0x92: {  	s4 =	sld [smem:$0x3FC7];
	(tm) =	ssettm $0x1  }
0x93: {  	s5 =	sld [smem:$0x3FFB];
	_ =	sdelay $0x3  }
0x94: {  	_ =	strace s5  }
0x95: {  	s5 =	sld [smem:$0x3FFC];
	_ =	sdelay $0x3  }
0x96: {  	_ =	strace s5  }
0x97: {  	s5 =	sld [smem:$0x3FFD];
	_ =	sdelay $0x3  }
0x98: {  	_ =	strace s5  }
0x99: {  	_ =	strace $0x8FFFFFFF  }
0x9a: {  	s19 =	sld [smem:$0x3FDB];
	_ =	sdelay $0x1  }
0x9b: {  	s6 =	simm.s32 $_scs_section_size  }
0x9c: {  	s7 =	simm.s32 $_size__tile_overlayer_lowered;
	s8 =	simm.s32 $_tile_overlayer_lowered  }
0x9d: {  	s22 =	simm.s32 $0x1BFF;
	s21 =	sshll.u32 s8, $0x1;
	s5 =	sadd.s32 s6, s19  }
0x9e: {  	s9 =	simm.s32 $0x0;
	s20 =	sshll.u32 s7, $0x1;
	s7 =	sadd.s32 s21, s5  }
0x9f: {  	[timem:s9], [sflag:s22] =	dma.local [hbm:s7], s20  }
0xa0: {  	_ =	swait.ge [sflag:s22], s20  }
0xa1: {  	s6 =	ssub.s32 $0x0, s20;
	[sflag:s22] =	ssyncset.done $0x0  }
0xa2: {  	[sflag:s22] =	ssyncadd.s32 s6;
	_ =	sdelay $0x1  }
0xa3: {  	s23 =	simm.s32 $0x1B8B  }
0xa4: {  	_ =	swait.ge [sflag:s23], $0x1  }
0xa5: {  	[sflag:s23] =	ssyncset.done $0x0  }
0xa6: {  	s25 =	simm.s32 $0x1B8E;
	s24 =	sld [smem:$0x3FFE];
	[sflag:s23] =	ssyncadd.s32 $0xFFFFFFFF  }
0xa7: {  	s26 =	simm.s32 $execute0_lowered;
	[smem:$0x3FD2] =	sst s25  }
0xa8: {  	s7 =	sshll.u32 s26, $0x1;
	_ =	strace $0x80000046;
	[dreg:$0x1] =	wrdreg $0xFFFFFFFF  }
0xa9: {  	s28 =	simm.s32 $_size_execute0_lowered;
	s5 =	sadd.s32 s5, s7;
	[dreg:$0x0] =	wrdreg $0x0  }
0xaa: {  	s7 =	sshll.u32 s28, $0x1;
	[dreg:$0x2] =	wrdreg s5  }
0xab: {  	[dreg:$0x3] =	wrdreg s7  }
0xac: {  	[dreg:$0x4] =	wrdreg $0xC0  }
0xad: {  	_ =	task [dreg:s9], $0x5FFFF  }
0xae: {  	[dreg:$0x1] =	wrdreg $0xFFFFFFFF  }
0xaf: {  	[dreg:$0x0] =	wrdreg $0x60  }
0xb0: {  	[dreg:$0x2] =	wrdreg s2  }
0xb1: {  	[dreg:$0x3] =	wrdreg s18  }
0xb2: {  	[dreg:$0x4] =	wrdreg s4  }
0xb3: {  	[dreg:$0x5] =	wrdreg s24  }
0xb4: {  	[dreg:$0x6] =	wrdreg $0x9  }
0xb5: {  	_ =	task.clear_ibuf [dreg:s9], $0x7FFFF;
	_ =	strace $0x90000046  }
0xb6: {  	s29 =	simm.s32 $0x9;
	_ =	strace $0x80000048  }
0xb7: {  	_ =	swait.ge [sflag:s29], $0x1  }
0xb8: {  	[sflag:s29] =	ssyncadd.s32 $0xFFFFFFFF  }
0xb9: {  	_ =	strace $0x90000048  }
0xba: {  	_ =	sfence  }
0xbb: {  	s30 =	sld [smem:$0x0];
	_ =	sdelay $0x2  }
0xbc: {  	s31 =	sshll.u32 s1, $0xD;
	s1 =	sshrl.u32 s1, $0x2  }
0xbd: {  	s3 =	sand.u32 $0x4000, s31;
	s1 =	sadd.s32 s1, s30  }
0xbe: {  	s0 =	sor.u32 s3, s0;
	s1 =	sshll.u32 s1, $0x11  }
0xbf: {  	s0 =	sor.u32 s1, s0  }
0xc0: {  	s0 =	sadd.s32 $0x8F2B, s0  }
0xc1: {  	[sflag:s0] =	ssyncadd.remote.s32 $0x1  }
0xc2: {  	_ =	sfence.sel $0xFFFF  }
0xc3: {  	[dreg:$0x0] =	wrdreg $0xFFFFFFFF;
	(pc) =	sbr.abs _section_cstart, $3  }
0xc4: {  	[dreg:$0x1] =	wrdreg $0xFFFFFFFF  }
0xc5: {  	_ =	task.clear_ibuf [dreg:s9], $0x2FFFF;
	_ =	strace $0x9FFFFFFF  }
0xc6: {  	(tm) =	ssettm $0x7FFFFFFF  }
0xc7: {  	_ =	shalt  }
tec
execute0_lowered:
.L_overlay_start_1:
0x0: {  	(tag) =	ssettag $0x1  }
0x1: {  	s1 =	rddreg [dreg:$0x0]  }
0x2: {  	s2 =	rddreg [dreg:$0x1]  }
0x3: {  	s3 =	srdreg.scid;
	s4 =	rddreg [dreg:$0x2]  }
0x4: {  	s0 =	stileid.u32;
	s8 =	rddreg [dreg:$0x3];
	s5 =	simm.s32 $0x0  }
0x5: {  	s11 =	simm.s32 $0x3F00;
	s12 =	simm.s32 $0x80;
	s13 =	simm.s32 $0x400  }
0x6: {  	s14 =	simm.s32 $0x7F80;
	s15 =	simm.s32 $0x5E80;
	s16 =	simm.s32 $0x0  }
0x7: {  	s6 =	sand.u32 $0x1, s3;
	s26 =	sshll.u32 s0, $0x1;
	s3 =	rddreg [dreg:$0x4]  }
0x8: {  	s28 =	sshrl.u32 s0, $0x2;
	[smem:$0x7FF] =	sst s5;
	s7 =	sor.u32 s6, s26  }
0x9: {  	p0 =	sgt.u32 s0, $0x7;
	s9 =	smul.u32 $0x11800, s28;
	s10 =	sshll.u32 s7, $0x7  }
.Ltmp0:
0xa: {  	s6 =	ssub.s32 $0x2, s6;
	s10 =	sand.u32 $0x380, s10;
	(pc) =	sbr.rel .LBB2_1-.Ltmp0, $4  }
0xb: {  	_ =	strace $0x80000047;
	s29 =	sshrl.u32 s6, $0x1;
	s9 =	sor.u32 s9, s10  }
0xc: {  	s31 =	sand.u32 $0xF, s7;
	s30 =	ssub.s32 s6, s29;
	s9 =	sshrl.u32 s9, $0x3  }
0xd: {  	v0 =	vimm.f32 $0.0e+00;
	s6 =	smul.u32 $0x61A80, s31;
	s10 =	simm.s32 $0x1F80;
	s8 =	sadd.s32 s9, s8  }
0xe: {  	v1 =	vimm.s32 $0x0;
	v2 =	vlaneseq.u32;
	vm0 =	vmmov $0x1;
	s9 =	simm.s32 $0x1;
	s7 =	sadd.s32 $0x600, s8;
	s8 =	smax.u32 s30, $0x1  }
.LBB2_16:
0xf: {  	p1 =	slt.s32 s18, $0x0  }
0x10: {  	s18 =	simm.s32 @p1 $0x2280  }
0x11: {  	s17 =	sand.u32 $0xFFFFFFF0, s18  }
0x12: {  	v4 =	vld [tilespmem:s17+$0x7F80];
	_ =	sdelay $0x1  }
0x13: {  	s18 =	sand.u32 $0xF, s18  }
0x14: {  	v3 =	vbroadcast v3, $0x0;
	v5 =	vmov s18  }
0x15: {  	s16 =	sadd.s32 $0x1, s16;
	vm1 =	veq.s32 v5, v2  }
0x16: {  	p1 =	sne.s32 s16, s8;
	v3 =	vsel vm1, v3, v4  }
.Ltmp1:
0x17: {  	[tilespmem:s17+$0x7F80] =	vst v3;
	(pc) =	sbr.rel @!p1 .LBB2_17-.Ltmp1, $4  }
0x18: {  	[hbm4b:s7+s12] =	stream.strided.scatter [tilespmem:s14], [sflag:$0x1], $0x2300, s13, s12, $0x38;
	[tilespmem:$0xA280] =	vst v63  }
0x19: {  	_ =	swait.ge [sflag:s9], $0x2300  }
0x1a: {  	[sflag:s9] =	ssyncset.done $0x0  }
0x1b: {  	[sflag:s9] =	ssyncadd.s32 $0xFFFFDD00  }
.LBB2_1:
0x1c: {  	[tilespmem:$0x7E00] =	vst v0  }
0x1d: {  	[tilespmem:$0x7F00] =	vst v1;
	s17 =	simm.s32 $0x0  }
.LBB2_2:
0x1e: {  	p1 =	sne.s32 s17, $0x8A00  }
.Ltmp2:
0x1f: {  	_ = 	snop;
	(pc) =	sbr.rel @p1 .LBB2_2-.Ltmp2, $3  }
0x20: {  	_ =	sdelay $0x1  }
0x21: {  	s18 =	sshra.s32 s17, $0x2  }
0x22: {  	s17 =	sadd.s32 $0x40, s17;
	[tilespmem:s18+$0x7F80] =	vst v0  }
.Ltmp3:
0x23: {  	(pc) =	sbr.rel .LBB2_4-.Ltmp3, $2  }
0x24: {  	_ =	sdelay $0x2  }
0x25: {  	s17 =	simm.s32 $0x0;
	s18 =	simm.s32 $0xFFFFFFFF;
	s19 =	simm.f32 $0.0e+00  }
.LBB2_15:
0x26: {  	s17 =	sadd.s32 $0x1, s17  }
0x27: {  	p1 =	sne.s32 s17, $0x32  }
.Ltmp4:
0x28: {  	_ = 	snop;
	(pc) =	sbr.rel @!p1 .LBB2_16-.Ltmp4, $1  }
0x29: {  	_ =	sdelay $0x3  }
.LBB2_4:
0x2a: {  	s20 =	smul.u32 $0x1F40, s17;
	_ =	sdelay $0x1  }
0x2b: {  	s20 =	sadd.s32 s6, s20  }
0x2c: {  	s20 =	sshrl.u32 s20, $0x3  }
.Ltmp5:
0x2d: {  	s21 =	sadd.s32 s1, s20;
	(pc) =	sbr.rel @p0 .LBB2_8-.Ltmp5, $4  }
0x2e: {  	[tilespmem:s5], [sflag:$0x1] =	stream.linear.gather [hbm4b:s21+s5], $0x1F40, $0x38;
	[tilespmem:$0xA280] =	vst v63  }
0x2f: {  	_ =	swait.ge [sflag:s9], $0x1F40  }
0x30: {  	[sflag:s9] =	ssyncset.done $0x0  }
0x31: {  	[sflag:s9] =	ssyncadd.s32 $0xFFFFE0C0  }
0x32: {  	s21 =	sadd.s32 s2, s20;
	s22 =	simm.s32 $0x0  }
0x33: {  	[tilespmem:s10], [sflag:$0x1] =	stream.linear.gather [hbm4b:s21+s22], $0x1F40, $0x38;
	[tilespmem:$0xA280] =	vst v63  }
0x34: {  	_ =	swait.ge [sflag:s9], $0x1F40  }
0x35: {  	[sflag:s9] =	ssyncset.done $0x0  }
0x36: {  	s31 =	sadd.s32 s4, s20;
	[sflag:s9] =	ssyncadd.s32 $0xFFFFE0C0  }
0x37: {  	[tilespmem:s11], [sflag:$0x1] =	stream.linear.gather [hbm4b:s31+s22], $0x1F40, $0x38;
	[tilespmem:$0xA280] =	vst v63  }
0x38: {  	_ =	swait.ge [sflag:s9], $0x1F40  }
0x39: {  	[sflag:s9] =	ssyncset.done $0x0  }
0x3a: {  	s20 =	simm.s32 $0x0;
	[sflag:s9] =	ssyncadd.s32 $0xFFFFE0C0  }
0x3b: {  	v3 =	vld [tilespmem:s20+$0x1F80]  }
0x3c: {  	s21 =	simm.s32 $0x40;
	v4 =	vld [tilespmem:s20+$0x3F00]  }
.LBB2_6:
0x3d: {  	_ = 	snop  }
0x3e: {  	p1 =	seq.s32 s21, $0x7CC0  }
.Ltmp6:
0x3f: {  	_ = 	snop;
	(pc) =	sbr.rel @!p1 .LBB2_6-.Ltmp6, $4  }
0x40: {  	_ = 	snop  }
0x41: {  	s22 =	sshra.s32 s21, $0x2;
	v5 =	vmul.f32 v4, v3  }
0x42: {  	v3 =	vld [tilespmem:s22+$0x1F80]  }
0x43: {  	s21 =	sadd.s32 $0x40, s21;
	v4 =	vld [tilespmem:s22+$0x3F00];
	[tilespmem:s20+$0x5E80] =	vst v5;
	s20 =	smov.u32 s22  }
0x44: {  	_ =	sdelay $0x1  }
.Ltmp7:
0x45: {  	_ = 	snop;
	(pc) =	sbr.rel .LBB2_9-.Ltmp7, $3  }
0x46: {  	_ = 	snop  }
0x47: {  	v3 =	vmul.f32 v4, v3;
	_ =	sdelay $0x1  }
0x48: {  	[tilespmem:s20+$0x5E80] =	vst v3  }
.LBB2_8:
0x49: {  	s20 =	sadd.s32 s4, s20  }
0x4a: {  	[tilespmem:s15], [sflag:$0x1] =	stream.linear.gather [hbm4b:s20+s5], $0x1F40, $0x38;
	[tilespmem:$0xA280] =	vst v63  }
0x4b: {  	_ =	swait.ge [sflag:s9], $0x1F40  }
0x4c: {  	[sflag:s9] =	ssyncset.done $0x0  }
0x4d: {  	[sflag:s9] =	ssyncadd.s32 $0xFFFFE0C0  }
.LBB2_9:
.Ltmp8:
0x4e: {  	(pc) =	sbr.rel .LBB2_10-.Ltmp8, $2  }
0x4f: {  	_ =	sdelay $0x2  }
0x50: {  	s20 =	simm.s32 $0x0;
	s21 =	simm.s32 $0x0  }
.LBB2_13:
0x51: {  	[tilespmem:$0x7E10] =	vst @!p1 v3  }
.LBB2_14:
0x52: {  	v4 =	vld [tilespmem:$0x7E90]  }
0x53: {  	v3 =	vld [tilespmem:$0x7E1F];
	_ =	sdelay $0x3  }
0x54: {  	(v2sf) =	vpush v4, $0x0  }
0x55: {  	(v2sf) =	vpush v3, $0x0;
	_ =	sdelay $0x8  }
0x56: {  	s21 =	sadd.s32 $0x1, s21  }
0x57: {  	p1 =	sne.s32 s21, $0x1F4  }
.Ltmp9:
0x58: {  	_ = 	snop;
	(pc) =	sbr.rel @!p1 .LBB2_15-.Ltmp9, $3  }
0x59: {  	_ =	sdelay $0x1  }
0x5a: {  	s18 =	spop (v2sf)  }
0x5b: {  	s19 =	spop (v2sf)  }
.LBB2_10:
0x5c: {  	s22 =	sshll.u32 s21, $0x4  }
0x5d: {  	v3 =	vld [tilespmem:s22+$0x0];
	_ =	sdelay $0x4  }
0x5e: {  	v3 =	vshrl.u32 v3, $0x1  }
0x5f: {  	v4 =	vcvt.s32.f32 v3;
	_ =	sdelay $0x1  }
0x60: {  	v4 =	vmul.f32 $5.555555690e-04, v4;
	_ =	sdelay $0x1  }
0x61: {  	v4 =	vtrunc.f32 v4  }
0x62: {  	v4 =	vcvt.f32.s32 v4;
	_ =	sdelay $0x1  }
0x63: {  	v5 =	vmul.u32 $0xFFFFF8F8, v4;
	_ =	sdelay $0x1  }
0x64: {  	v5 =	vadd.s32 v3, v5  }
0x65: {  	v5 =	vshra.s32 v5, $0x1F  }
0x66: {  	v4 =	vadd.s32 v4, v5  }
0x67: {  	v5 =	vmul.u32 $0xFFFFF8F8, v4;
	_ =	sdelay $0x1  }
0x68: {  	v3 =	vadd.s32 v3, v5  }
0x69: {  	vm1 =	vgt.s32 v3, $0x707  }
0x6a: {  	v3 =	vsel vm1, $0x1, v1  }
0x6b: {  	v3 =	vadd.s32 v3, v4  }
0x6c: {  	[tilespmem:$0x7E81] =	vst v3  }
0x6d: {  	v56 =	vld [tilespmem:$0x7E80];
	_ =	sdelay $0x3  }
0x6e: {  	vm1 =	veq.s32 v2, $0x0  }
0x6f: {  	v4 =	vsel vm1, s18, v56  }
0x70: {  	vm1 =	vne.s32 v3, v4  }
0x71: {  	v6 =	vsel vm1, $0x1, v1  }
0x72: {  	v57 =	vld [tilespmem:s22+$0x5E80];
	[tilespmem:$0x7F10] =	vst v6  }
0x73: {  	v7 =	vld [tilespmem:$0x7F0F];
	_ =	sdelay $0x4  }
0x74: {  	v7 =	vadd.s32 v6, v7  }
0x75: {  	[tilespmem:$0x7F10] =	vst v7  }
0x76: {  	v8 =	vld [tilespmem:$0x7F0E];
	_ =	sdelay $0x4  }
0x77: {  	vm1 =	veq.s32 v3, v4;
	v3 =	vadd.s32 v8, v7  }
0x78: {  	[tilespmem:$0x7F10] =	vst v3  }
0x79: {  	v59 =	vld [tilespmem:$0x7F0C];
	_ =	sdelay $0x3  }
0x7a: {  	v58 =	vmov s19;
	vm1 =	vmand vm1, vm0  }
0x7b: {  	v4 =	vnsel vm1, $0x0, v58;
	v3 =	vadd.s32 v3, v59  }
0x7c: {  	v4 =	vadd.f32 v4, v57;
	[tilespmem:$0x7F10] =	vst v3  }
0x7d: {  	v61 =	vld [tilespmem:$0x7F08]  }
0x7e: {  	[tilespmem:$0x7E10] =	vst v4  }
0x7f: {  	v60 =	vld [tilespmem:$0x7E0F];
	_ =	sdelay $0x2  }
0x80: {  	v3 =	vadd.s32 v3, v61  }
0x81: {  	[tilespmem:$0x7F10] =	vst v3  }
0x82: {  	v4 =	vadd.f32 v4, v60;
	v3 =	vld [tilespmem:$0x7F1F];
	_ =	sdelay $0x1  }
0x83: {  	[tilespmem:$0x7E10] =	vst v4  }
0x84: {  	v62 =	vld [tilespmem:$0x7E0E];
	_ =	sdelay $0x1  }
0x85: {  	(v2sf) =	vpush v3, $0x0;
	_ =	sdelay $0x2  }
0x86: {  	v4 =	vadd.f32 v4, v62;
	_ =	sdelay $0x1  }
0x87: {  	[tilespmem:$0x7E10] =	vst v4  }
0x88: {  	v3 =	vld [tilespmem:$0x7E0C];
	_ =	sdelay $0x4  }
0x89: {  	v3 =	vadd.f32 v4, v3;
	_ =	sdelay $0x1  }
0x8a: {  	[tilespmem:$0x7E10] =	vst v3  }
0x8b: {  	v63 =	vld [tilespmem:$0x7E08]  }
0x8c: {  	s23 =	spop (v2sf)  }
0x8d: {  	p1 =	slt.s32 s23, $0x1  }
.Ltmp10:
0x8e: {  	_ = 	snop;
	(pc) =	sbr.rel @p1 .LBB2_14-.Ltmp10, $4  }
0x8f: {  	_ = 	snop  }
0x90: {  	v3 =	vadd.f32 v3, v63  }
0x91: {  	[tilespmem:$0x7F10] =	vst v6  }
0x92: {  	[tilespmem:$0x7E10] =	vst v3  }
0x93: {  	s23 =	simm.s32 $0x7F10  }
0x94: {  	v3 =	vld [tilespmem:s23+$0x0];
	_ =	sdelay $0x4  }
0x95: {  	(v2sf) =	vpush v3, $0x0;
	_ =	sdelay $0xe  }
0x96: {  	s24 =	spop (v2sf)  }
0x97: {  	s23 =	simm.s32 $0x7E80;
	p1 =	sne.s32 s24, $0x1  }
0x98: {  	v3 =	vld @!p1 [tilespmem:s23+$0x0];
	_ =	sdelay $0x4  }
0x99: {  	(v2sf) =	vpush @!p1 v3, $0x0;
	_ =	sdelay $0x2  }
0x9a: {  	s24 =	simm.s32 $0x7E0F  }
0x9b: {  	v3 =	vld @!p1 [tilespmem:s24+$0x0];
	_ =	sdelay $0x4  }
0x9c: {  	(v2sf) =	vpush @!p1 v3, $0x0;
	_ =	sdelay $0x4  }
0x9d: {  	p2 =	por @!p1 $0x1, $0x1  }
0x9e: {  	s26 =	smov.u32 s18;
	p2 =	por !p2, p1;
	s25 =	spop @!p1 (v2sf)  }
0x9f: {  	s26 =	smov.u32 @p2 s25  }
0xa0: {  	p3 =	slt.s32 @!p1 s26, $0x0  }
0xa1: {  	p3 =	por !p3, p1  }
0xa2: {  	s26 =	simm.s32 @!p3 $0x2280  }
0xa3: {  	s25 =	sand.u32 @!p1 $0xFFFFFFF0, s26  }
0xa4: {  	v3 =	vld @!p1 [tilespmem:s25+$0x7F80];
	_ =	sdelay $0x1  }
0xa5: {  	s26 =	sand.u32 @!p1 $0xF, s26  }
0xa6: {  	s28 =	smov.u32 s19;
	v5 =	vlaneseq.u32 @!p1;
	v4 =	vmov @!p1 s26;
	s26 =	spop @!p1 (v2sf)  }
0xa7: {  	vm1 =	veq.s32 @!p1 v4, v5;
	s28 =	smov.u32 @p2 s26  }
0xa8: {  	v3 =	vsel @!p1 vm1, s28, v3  }
0xa9: {  	[tilespmem:s25+$0x7F80] =	vst @!p1 v3  }
0xaa: {  	v3 =	vld @!p1 [tilespmem:s22+$0x5E80];
	_ =	sdelay $0x2  }
0xab: {  	v4 =	vmov @!p1 s20;
	v5 =	vadd.s32 @!p1 $0x1, v5  }
0xac: {  	vm1 =	vlt.u32 @!p1 v4, v5  }
0xad: {  	v3 =	vnsel @!p1 vm1, $0x0, v3  }
0xae: {  	[tilespmem:$0x7E10] =	vst @!p1 v3  }
0xaf: {  	v4 =	vld @!p1 [tilespmem:$0x7E0F];
	_ =	sdelay $0x4  }
0xb0: {  	v3 =	vadd.f32 @!p1 v4, v3;
	_ =	sdelay $0x1  }
0xb1: {  	[tilespmem:$0x7E10] =	vst @!p1 v3  }
0xb2: {  	v4 =	vld @!p1 [tilespmem:$0x7E0E];
	_ =	sdelay $0x4  }
0xb3: {  	v3 =	vadd.f32 @!p1 v4, v3;
	_ =	sdelay $0x1  }
0xb4: {  	[tilespmem:$0x7E10] =	vst @!p1 v3  }
0xb5: {  	v4 =	vld @!p1 [tilespmem:$0x7E0C];
	_ =	sdelay $0x4  }
0xb6: {  	v3 =	vadd.f32 @!p1 v4, v3;
	_ =	sdelay $0x1  }
0xb7: {  	[tilespmem:$0x7E10] =	vst @!p1 v3  }
0xb8: {  	v4 =	vld @!p1 [tilespmem:$0x7E08];
	_ =	sdelay $0x4  }
0xb9: {  	s26 =	simm.s32 $0x7F11;
	s25 =	simm.s32 $0x1;
	v3 =	vadd.f32 @!p1 v4, v3  }
.LBB2_12:
0xba: {  	s23 =	sadd.s32 $0x1, s23  }
0xbb: {  	[tilespmem:$0x7E10] =	vst @!p1 v3;
	s24 =	sadd.s32 $0x1, s24;
	s28 =	smov.u32 s25;
	s25 =	sadd.s32 $0x1, s25  }
0xbc: {  	v3 =	vld [tilespmem:s26+$0x0];
	p2 =	sne.s32 s25, $0x10;
	_ =	sdelay $0x4  }
0xbd: {  	(v2sf) =	vpush v3, $0x0;
	_ =	sdelay $0xe  }
0xbe: {  	s29 =	spop (v2sf)  }
0xbf: {  	p1 =	sne.s32 s29, $0x1  }
0xc0: {  	p3 =	seq.s32 @!p1 s28, $0x0;
	v3 =	vld @!p1 [tilespmem:s23+$0x0];
	_ =	sdelay $0x4  }
0xc1: {  	(v2sf) =	vpush @!p1 v3, $0x0;
	_ =	sdelay $0x3  }
0xc2: {  	v3 =	vld @!p1 [tilespmem:s24+$0x0];
	_ =	sdelay $0x4  }
0xc3: {  	(v2sf) =	vpush @!p1 v3, $0x0;
	_ =	sdelay $0x5  }
0xc4: {  	s30 =	smov.u32 s18;
	p3 =	por !p3, p1;
	s29 =	spop @!p1 (v2sf)  }
0xc5: {  	s30 =	smov.u32 @p3 s29  }
0xc6: {  	p4 =	slt.s32 @!p1 s30, $0x0  }
0xc7: {  	p4 =	por !p4, p1  }
0xc8: {  	s30 =	simm.s32 @!p4 $0x2280  }
0xc9: {  	s29 =	sand.u32 @!p1 $0xF, s30;
	s30 =	sand.u32 @!p1 $0xFFFFFFF0, s30  }
0xca: {  	v5 =	vlaneseq.u32 @!p1;
	v3 =	vld @!p1 [tilespmem:s30+$0x7F80];
	v4 =	vmov @!p1 s29  }
0xcb: {  	vm1 =	veq.s32 @!p1 v4, v5;
	v4 =	vmov @!p1 s28;
	v5 =	vadd.s32 @!p1 $0x1, v5  }
0xcc: {  	vm2 =	vlt.u32 @!p1 v4, v5  }
0xcd: {  	s29 =	smov.u32 s19;
	s28 =	spop @!p1 (v2sf)  }
0xce: {  	s29 =	smov.u32 @p3 s28  }
0xcf: {  	v3 =	vsel @!p1 vm1, s29, v3  }
0xd0: {  	[tilespmem:s30+$0x7F80] =	vst @!p1 v3  }
0xd1: {  	v3 =	vld @!p1 [tilespmem:s22+$0x5E80];
	_ =	sdelay $0x4  }
0xd2: {  	v3 =	vnsel @!p1 vm2, $0x0, v3  }
0xd3: {  	[tilespmem:$0x7E10] =	vst @!p1 v3  }
0xd4: {  	v4 =	vld @!p1 [tilespmem:$0x7E0F];
	_ =	sdelay $0x4  }
0xd5: {  	v3 =	vadd.f32 @!p1 v4, v3;
	_ =	sdelay $0x1  }
0xd6: {  	[tilespmem:$0x7E10] =	vst @!p1 v3  }
0xd7: {  	v4 =	vld @!p1 [tilespmem:$0x7E0E];
	_ =	sdelay $0x4  }
0xd8: {  	v3 =	vadd.f32 @!p1 v4, v3;
	_ =	sdelay $0x1  }
0xd9: {  	[tilespmem:$0x7E10] =	vst @!p1 v3  }
0xda: {  	v4 =	vld @!p1 [tilespmem:$0x7E0C];
	_ =	sdelay $0x4  }
0xdb: {  	v3 =	vadd.f32 @!p1 v4, v3;
	_ =	sdelay $0x1  }
0xdc: {  	[tilespmem:$0x7E10] =	vst @!p1 v3  }
0xdd: {  	v4 =	vld @!p1 [tilespmem:$0x7E08];
	_ =	sdelay $0x1  }
.Ltmp11:
0xde: {  	(pc) =	sbr.rel @p2 .LBB2_12-.Ltmp11, $3  }
0xdf: {  	_ =	sdelay $0x1  }
0xe0: {  	v3 =	vadd.f32 @!p1 v4, v3  }
0xe1: {  	s26 =	sadd.s32 $0x1, s26  }
.Ltmp12:
0xe2: {  	_ = 	snop;
	(pc) =	sbr.rel .LBB2_13-.Ltmp12, $1  }
0xe3: {  	_ =	sdelay $0x3  }
.LBB2_17:
0xe4: {  	_ =	sfence.sel $0x180000  }
0xe5: {  	[bflag:$0x0] =	sbarrier.arrive $0xFFFF  }
0xe6: {  	p0 =	sne.s32 s0, $0x0;
	_ =	strace $0x90000047  }
0xe7: {  	s0 =	sadd.s32 @!p0 $0x100000, s3;
	[bflag:$0x2] =	sbarrier.arrive $0xFFFF  }
0xe8: {  	[sflag:s0] =	ssyncadd.tile.s32 @!p0 $0x1;
	_ =	shalt  }
.Lfunc_end2:
_tile_overlayer_lowered:
.L_overlay_start_2:
0xe9: {  	(tag) =	ssettag $0x2  }
0xea: {  	s0 =	rddreg [dreg:$0x0];
	s2 =	stileid.u32  }
0xeb: {  	s1 =	rddreg [dreg:$0x1];
	p0 =	sne.s32 s2, $0x0  }
0xec: {  	s3 =	rddreg [dreg:$0x2];
	[bflag:$0x3] =	sbarrier.arrive $0xFFFF;
	s2 =	simm.s32 @!p0 $0x1C01  }
0xed: {  	[timem:s3], [sflag:s2] =	dma.local @!p0 [hbm:s0], s1  }
0xee: {  	s0 =	simm.s32 @!p0 $0x1  }
0xef: {  	_ =	swait.ge @!p0 [sflag:s0], s1  }
0xf0: {  	s1 =	ssub.s32 @!p0 $0x0, s1;
	[sflag:s0] =	ssyncset.done @!p0 $0x0  }
0xf1: {  	[sflag:s0] =	ssyncadd.s32 @!p0 s1  }
0xf2: {  	[bflag:$0x3] =	sbarrier.arrive $0xFFFF  }
0xf3: {  	_ =	shalt  }

</sc_bundles>
